<compile_context>
chip_gen: v7x
topology: tpu7x:2x2x1
jax: 0.10.2.dev20260603
libtpu: 0.0.44.dev20260713+nightly
codegen_flags: <defaults>
</compile_context>

<pallas_src>
import functools

import jax
import jax.numpy as jnp
from jax import lax
from jax.experimental import pallas as pl
from jax.experimental.pallas import tpu as pltpu
from jax.experimental.pallas import tpu_sc as plsc

C = 26
F = 13
V = 100000
D = 32

NC = 2
NS = 16
NW = NC * NS
L16 = 16
NQ = 4


def _sc_body(T, cat_ref, cont_ref, tab_ref, w_ref, b_ref, out_ref,
             row_v, q_v, qf_v, o_v, wrow_v, brow_v):
    TQ = T // NQ
    ng = TQ // L16
    wid = lax.axis_index("s") * NC + lax.axis_index("c")
    d = wid

    def cat_unit(c, carry):
        pltpu.sync_copy(tab_ref.at[c, d, :], row_v)
        for q in range(NQ):
            pltpu.sync_copy(cat_ref.at[c, pl.ds(q * TQ, TQ)], q_v)
            base = q * TQ

            def grp(g, cc):
                iv = q_v[pl.ds(g * L16, L16)]
                o_v[pl.ds(base + g * L16, L16)] = plsc.load_gather(row_v, [iv])
                return cc

            lax.fori_loop(0, ng, grp, 0, unroll=8)

        pltpu.sync_copy(o_v, out_ref.at[c, d, :])
        return carry

    lax.fori_loop(0, C, cat_unit, 0)

    dsplat = jnp.full((L16,), d, jnp.int32)

    def cont_unit(f, carry):
        pltpu.sync_copy(w_ref.at[f], wrow_v)
        pltpu.sync_copy(b_ref.at[f], brow_v)
        wv = plsc.load_gather(wrow_v, [dsplat])
        bv = plsc.load_gather(brow_v, [dsplat])
        for q in range(NQ):
            pltpu.sync_copy(cont_ref.at[f, pl.ds(q * TQ, TQ)], qf_v)
            base = q * TQ

            def grp(g, cc):
                vv = qf_v[pl.ds(g * L16, L16)]
                o_v[pl.ds(base + g * L16, L16)] = vv * wv + bv
                return cc

            lax.fori_loop(0, ng, grp, 0, unroll=8)

        pltpu.sync_copy(o_v, out_ref.at[C + f, d, :])
        return carry

    lax.fori_loop(0, F, cont_unit, 0)


def kernel(cat, cont, tables, W, b):
    Bd, Ld, Cd = cat.shape
    T = Bd * Ld

    tab_t = tables.transpose(0, 2, 1)
    cat_t = cat.reshape(T, C).T
    cont_t = cont.reshape(T, F).T

    body = functools.partial(_sc_body, T)
    sc_call = pl.kernel(
        body,
        out_type=jax.ShapeDtypeStruct((C + F, D, T), jnp.float32),
        mesh=plsc.VectorSubcoreMesh(core_axis_name="c", subcore_axis_name="s"),
        scratch_types=[
            pltpu.VMEM((V,), jnp.float32),
            pltpu.VMEM((T // NQ,), jnp.int32),
            pltpu.VMEM((T // NQ,), jnp.float32),
            pltpu.VMEM((T,), jnp.float32),
            pltpu.VMEM((D,), jnp.float32),
            pltpu.VMEM((D,), jnp.float32),
        ],
        compiler_params=pltpu.CompilerParams(needs_layout_passes=False),
        name="emb_layer_sc",
    )
    out_t = sc_call(cat_t, cont_t, tab_t, W, b)
    return out_t.transpose(2, 0, 1)

# --- scband reference (transcript-rebuilt; emitter-appended) ---
"""Pipeline reference for scband-embedding-layer-14121852469471 (READ-ONLY COPY).

The authoritative reference and input builder live on the scoring server;
editing this copy changes nothing except your own understanding.
"""

import jax, jax.numpy as jnp
import numpy as np

C = 26  # categorical fields
F = 13  # continuous fields
V = 100000  # vocab per categorical field
D = 32  # emb_dim
B = 1024
L = 20


def setup_inputs(seed: int = 0) -> dict:
    key = jax.random.key(seed)
    k1, k2, k3, k4, k5 = jax.random.split(key, 5)
    cat = jax.random.randint(k1, (B, L, C), 0, V, dtype=jnp.int32)
    cont = jax.random.normal(k5, (B, L, F), dtype=jnp.float32)
    # stacked per-field embedding tables [C, V, D]; padding_idx=0 rows are zero
    tables = jax.random.normal(k2, (C, V, D), dtype=jnp.float32)
    tables = tables.at[:, 0, :].set(0.0)
    # per-field Linear(1, D): weight [F, D], bias [F, D]
    W = jax.random.normal(k3, (F, D), dtype=jnp.float32) * 0.05
    b = jax.random.normal(k4, (F, D), dtype=jnp.float32) * 0.05
    return {"cat": cat, "cont": cont, "tables": tables, "W": W, "b": b}


def reference(cat, cont, tables, W, b):
    Bd, Ld, Cd = cat.shape
    Dd = tables.shape[-1]
    # per-field embedding lookup (gather) -> [B, L, C, D]
    cat_embs = jnp.stack([tables[i][cat[:, :, i]] for i in range(Cd)], axis=2)
    # per-field Linear(1, D): cont[:, :, i:i+1] @ W_i^T + b_i -> [B, L, F, D]
    cont_embs = cont[..., None] * W[None, None, :, :] + b[None, None, :, :]
    # dropout p=0 -> identity
    tokens = jnp.concatenate([cat_embs, cont_embs], axis=2)  # [B, L, C+F, D]
    return tokens.reshape(Bd * Ld, -1, Dd)

if __name__ == "__main__":
    import jax
    _d = setup_inputs()
    print(jax.jit(kernel)(*tuple(_d.values())))

</pallas_src>

<mosaic_0001>
#map = affine_map<(d0, d1) -> (0, 0)>
#map1 = affine_map<(d0, d1) -> (0, 0, 0)>
module attributes {stable_mosaic.version = 14 : i64} {
  func.func @emb_layer_sc(%arg0: i32, %arg1: i32, %arg2: memref<26x20480xi32, #tpu.memory_space<hbm>>, %arg3: memref<13x20480xf32, #tpu.memory_space<hbm>>, %arg4: memref<26x32x100000xf32, #tpu.memory_space<hbm>>, %arg5: memref<13x32xf32, #tpu.memory_space<hbm>>, %arg6: memref<13x32xf32, #tpu.memory_space<hbm>>, %arg7: memref<39x32x20480xf32, #tpu.memory_space<hbm>>, %arg8: memref<100000xf32, #tpu.memory_space<vmem>>, %arg9: memref<5120xi32, #tpu.memory_space<vmem>>, %arg10: memref<5120xf32, #tpu.memory_space<vmem>>, %arg11: memref<20480xf32, #tpu.memory_space<vmem>>, %arg12: memref<32xf32, #tpu.memory_space<vmem>>, %arg13: memref<32xf32, #tpu.memory_space<vmem>>) attributes {dimension_semantics = [#tpu.dimension_semantics<core_parallel>, #tpu.dimension_semantics<subcore_parallel>], iteration_bounds = array<i64: 2, 16>, scalar_prefetch = 0 : i64, scratch_operands = 6 : i64, tpu.core_type = #tpu.core_type<sc_vector_subcore>, window_params = [{transform_indices = #map}, {transform_indices = #map}, {transform_indices = #map1}, {transform_indices = #map}, {transform_indices = #map}, {transform_indices = #map1}]} {
    %mul3A = arith.constant 2 : i32
    %mul3A_0 = arith.muli %arg1, %mul3A : i32
    %add3A = arith.addi %mul3A_0, %arg0 : i32
    %scan3A = arith.constant 0 : i32
    %scan3A_1 = arith.constant 0 : i32
    %scan3A_2 = arith.constant 26 : i32
    %scan3A_3 = arith.addi %scan3A_1, %scan3A_2 : i32
    %scan3A_4 = arith.constant 1 : i32
    scf.for %scan3A_12 = %scan3A_1 to %scan3A_3 step %scan3A_4  : i32 {
      "tpu.region"() ({
        %run_scoped3A = tpu.sem_alloc : memref<!tpu.dma_semaphore, #tpu.memory_space<semaphore_mem>>
        %dma_start3A = arith.constant 0 : i32
        %dma_start3A_37 = tpu.memref_slice %arg4[%scan3A_12, %add3A, %dma_start3A] : memref<26x32x100000xf32, #tpu.memory_space<hbm>> -> memref<1x1x100000xf32, #tpu.memory_space<hbm>>
        %dma_start3A_38 = tpu.memref_squeeze %dma_start3A_37 : memref<1x1x100000xf32, #tpu.memory_space<hbm>> -> memref<100000xf32, #tpu.memory_space<hbm>>
        %dma_start3A_39 = arith.constant 0 : i32
        %dma_start3A_40 = tpu.memref_slice %arg4[%scan3A_12, %add3A, %dma_start3A_39] : memref<26x32x100000xf32, #tpu.memory_space<hbm>> -> memref<1x1x100000xf32, #tpu.memory_space<hbm>>
        %dma_start3A_41 = tpu.memref_squeeze %dma_start3A_40 : memref<1x1x100000xf32, #tpu.memory_space<hbm>> -> memref<100000xf32, #tpu.memory_space<hbm>>
        tpu.enqueue_dma source(%dma_start3A_41 : memref<100000xf32, #tpu.memory_space<hbm>>) target(%arg8 : memref<100000xf32, #tpu.memory_space<vmem>>) target_semaphore(%run_scoped3A : memref<!tpu.dma_semaphore, #tpu.memory_space<semaphore_mem>>)
        %dma_wait3A = arith.constant 0 : i32
        %dma_wait3A_42 = tpu.memref_slice %arg4[%scan3A_12, %add3A, %dma_wait3A] : memref<26x32x100000xf32, #tpu.memory_space<hbm>> -> memref<1x1x100000xf32, #tpu.memory_space<hbm>>
        %dma_wait3A_43 = tpu.memref_squeeze %dma_wait3A_42 : memref<1x1x100000xf32, #tpu.memory_space<hbm>> -> memref<100000xf32, #tpu.memory_space<hbm>>
        %dma_wait3A_44 = arith.constant 0 : i32
        %dma_wait3A_45 = tpu.memref_slice %arg4[%scan3A_12, %add3A, %dma_wait3A_44] : memref<26x32x100000xf32, #tpu.memory_space<hbm>> -> memref<1x1x100000xf32, #tpu.memory_space<hbm>>
        %dma_wait3A_46 = tpu.memref_squeeze %dma_wait3A_45 : memref<1x1x100000xf32, #tpu.memory_space<hbm>> -> memref<100000xf32, #tpu.memory_space<hbm>>
        tpu.wait_dma2 semaphore(%run_scoped3A : memref<!tpu.dma_semaphore, #tpu.memory_space<semaphore_mem>>) src(%dma_wait3A_46 : memref<100000xf32, #tpu.memory_space<hbm>>) dst(%arg8 : memref<100000xf32, #tpu.memory_space<vmem>>)
        tpu.yield
      }) : () -> ()
      "tpu.region"() ({
        %run_scoped3A = tpu.sem_alloc : memref<!tpu.dma_semaphore, #tpu.memory_space<semaphore_mem>>
        %dma_start3A = arith.constant 0 : i32
        %dma_start3A_37 = tpu.memref_slice %arg2[%scan3A_12, %dma_start3A] : memref<26x20480xi32, #tpu.memory_space<hbm>> -> memref<1x5120xi32, #tpu.memory_space<hbm>>
        %dma_start3A_38 = tpu.memref_squeeze %dma_start3A_37 : memref<1x5120xi32, #tpu.memory_space<hbm>> -> memref<5120xi32, #tpu.memory_space<hbm>>
        %dma_start3A_39 = arith.constant 0 : i32
        %dma_start3A_40 = tpu.memref_slice %arg2[%scan3A_12, %dma_start3A_39] : memref<26x20480xi32, #tpu.memory_space<hbm>> -> memref<1x5120xi32, #tpu.memory_space<hbm>>
        %dma_start3A_41 = tpu.memref_squeeze %dma_start3A_40 : memref<1x5120xi32, #tpu.memory_space<hbm>> -> memref<5120xi32, #tpu.memory_space<hbm>>
        tpu.enqueue_dma source(%dma_start3A_41 : memref<5120xi32, #tpu.memory_space<hbm>>) target(%arg9 : memref<5120xi32, #tpu.memory_space<vmem>>) target_semaphore(%run_scoped3A : memref<!tpu.dma_semaphore, #tpu.memory_space<semaphore_mem>>)
        %dma_wait3A = arith.constant 0 : i32
        %dma_wait3A_42 = tpu.memref_slice %arg2[%scan3A_12, %dma_wait3A] : memref<26x20480xi32, #tpu.memory_space<hbm>> -> memref<1x5120xi32, #tpu.memory_space<hbm>>
        %dma_wait3A_43 = tpu.memref_squeeze %dma_wait3A_42 : memref<1x5120xi32, #tpu.memory_space<hbm>> -> memref<5120xi32, #tpu.memory_space<hbm>>
        %dma_wait3A_44 = arith.constant 0 : i32
        %dma_wait3A_45 = tpu.memref_slice %arg2[%scan3A_12, %dma_wait3A_44] : memref<26x20480xi32, #tpu.memory_space<hbm>> -> memref<1x5120xi32, #tpu.memory_space<hbm>>
        %dma_wait3A_46 = tpu.memref_squeeze %dma_wait3A_45 : memref<1x5120xi32, #tpu.memory_space<hbm>> -> memref<5120xi32, #tpu.memory_space<hbm>>
        tpu.wait_dma2 semaphore(%run_scoped3A : memref<!tpu.dma_semaphore, #tpu.memory_space<semaphore_mem>>) src(%dma_wait3A_46 : memref<5120xi32, #tpu.memory_space<hbm>>) dst(%arg9 : memref<5120xi32, #tpu.memory_space<vmem>>)
        tpu.yield
      }) : () -> ()
      %scan3A_13 = arith.constant 0 : i32
      %scan3A_14 = arith.constant 0 : i32
      %scan3A_15 = arith.constant 320 : i32
      %scan3A_16 = arith.addi %scan3A_14, %scan3A_15 : i32
      %scan3A_17 = arith.constant 8 : i32
      scf.for %scan3A_37 = %scan3A_14 to %scan3A_16 step %scan3A_17  : i32 {
        %mul3A_38 = arith.constant 16 : i32
        %mul3A_39 = arith.muli %scan3A_37, %mul3A_38 : i32
        %get3A = arith.index_cast %mul3A_39 : i32 to index
        %get3A_40 = tpu.vector_load %arg9[%get3A] {strides = array<i32>} : memref<5120xi32, #tpu.memory_space<vmem>>, vector<16xi32>,
        %gather3A = tpu.vector_load_idx %arg8[%get3A_40] : memref<100000xf32, #tpu.memory_space<vmem>>[vector<16xi32>], vector<16xf32>,
        %mul3A_41 = arith.constant 16 : i32
        %mul3A_42 = arith.muli %scan3A_37, %mul3A_41 : i32
        %add3A_43 = arith.constant 0 : i32
        %add3A_44 = arith.addi %add3A_43, %mul3A_42 : i32
        %swap3A = arith.index_cast %add3A_44 : i32 to index
        %swap3A_45 = tpu.vector_load %arg11[%swap3A] {strides = array<i32>} : memref<20480xf32, #tpu.memory_space<vmem>>, vector<16xf32>,
        tpu.vector_store %arg11[%swap3A], %gather3A {strides = array<i32>} : memref<20480xf32, #tpu.memory_space<vmem>>, vector<16xf32>,
        %scan3A_46 = arith.constant 1 : i32
        %scan3A_47 = arith.addi %scan3A_37, %scan3A_46 : i32
        %mul3A_48 = arith.constant 16 : i32
        %mul3A_49 = arith.muli %scan3A_47, %mul3A_48 : i32
        %get3A_50 = arith.index_cast %mul3A_49 : i32 to index
        %get3A_51 = tpu.vector_load %arg9[%get3A_50] {strides = array<i32>} : memref<5120xi32, #tpu.memory_space<vmem>>, vector<16xi32>,
        %gather3A_52 = tpu.vector_load_idx %arg8[%get3A_51] : memref<100000xf32, #tpu.memory_space<vmem>>[vector<16xi32>], vector<16xf32>,
        %mul3A_53 = arith.constant 16 : i32
        %mul3A_54 = arith.muli %scan3A_47, %mul3A_53 : i32
        %add3A_55 = arith.constant 0 : i32
        %add3A_56 = arith.addi %add3A_55, %mul3A_54 : i32
        %swap3A_57 = arith.index_cast %add3A_56 : i32 to index
        %swap3A_58 = tpu.vector_load %arg11[%swap3A_57] {strides = array<i32>} : memref<20480xf32, #tpu.memory_space<vmem>>, vector<16xf32>,
        tpu.vector_store %arg11[%swap3A_57], %gather3A_52 {strides = array<i32>} : memref<20480xf32, #tpu.memory_space<vmem>>, vector<16xf32>,
        %scan3A_59 = arith.constant 2 : i32
        %scan3A_60 = arith.addi %scan3A_37, %scan3A_59 : i32
        %mul3A_61 = arith.constant 16 : i32
        %mul3A_62 = arith.muli %scan3A_60, %mul3A_61 : i32
        %get3A_63 = arith.index_cast %mul3A_62 : i32 to index
        %get3A_64 = tpu.vector_load %arg9[%get3A_63] {strides = array<i32>} : memref<5120xi32, #tpu.memory_space<vmem>>, vector<16xi32>,
        %gather3A_65 = tpu.vector_load_idx %arg8[%get3A_64] : memref<100000xf32, #tpu.memory_space<vmem>>[vector<16xi32>], vector<16xf32>,
        %mul3A_66 = arith.constant 16 : i32
        %mul3A_67 = arith.muli %scan3A_60, %mul3A_66 : i32
        %add3A_68 = arith.constant 0 : i32
        %add3A_69 = arith.addi %add3A_68, %mul3A_67 : i32
        %swap3A_70 = arith.index_cast %add3A_69 : i32 to index
        %swap3A_71 = tpu.vector_load %arg11[%swap3A_70] {strides = array<i32>} : memref<20480xf32, #tpu.memory_space<vmem>>, vector<16xf32>,
        tpu.vector_store %arg11[%swap3A_70], %gather3A_65 {strides = array<i32>} : memref<20480xf32, #tpu.memory_space<vmem>>, vector<16xf32>,
        %scan3A_72 = arith.constant 3 : i32
        %scan3A_73 = arith.addi %scan3A_37, %scan3A_72 : i32
        %mul3A_74 = arith.constant 16 : i32
        %mul3A_75 = arith.muli %scan3A_73, %mul3A_74 : i32
        %get3A_76 = arith.index_cast %mul3A_75 : i32 to index
        %get3A_77 = tpu.vector_load %arg9[%get3A_76] {strides = array<i32>} : memref<5120xi32, #tpu.memory_space<vmem>>, vector<16xi32>,
        %gather3A_78 = tpu.vector_load_idx %arg8[%get3A_77] : memref<100000xf32, #tpu.memory_space<vmem>>[vector<16xi32>], vector<16xf32>,
        %mul3A_79 = arith.constant 16 : i32
        %mul3A_80 = arith.muli %scan3A_73, %mul3A_79 : i32
        %add3A_81 = arith.constant 0 : i32
        %add3A_82 = arith.addi %add3A_81, %mul3A_80 : i32
        %swap3A_83 = arith.index_cast %add3A_82 : i32 to index
        %swap3A_84 = tpu.vector_load %arg11[%swap3A_83] {strides = array<i32>} : memref<20480xf32, #tpu.memory_space<vmem>>, vector<16xf32>,
        tpu.vector_store %arg11[%swap3A_83], %gather3A_78 {strides = array<i32>} : memref<20480xf32, #tpu.memory_space<vmem>>, vector<16xf32>,
        %scan3A_85 = arith.constant 4 : i32
        %scan3A_86 = arith.addi %scan3A_37, %scan3A_85 : i32
        %mul3A_87 = arith.constant 16 : i32
        %mul3A_88 = arith.muli %scan3A_86, %mul3A_87 : i32
        %get3A_89 = arith.index_cast %mul3A_88 : i32 to index
        %get3A_90 = tpu.vector_load %arg9[%get3A_89] {strides = array<i32>} : memref<5120xi32, #tpu.memory_space<vmem>>, vector<16xi32>,
        %gather3A_91 = tpu.vector_load_idx %arg8[%get3A_90] : memref<100000xf32, #tpu.memory_space<vmem>>[vector<16xi32>], vector<16xf32>,
        %mul3A_92 = arith.constant 16 : i32
        %mul3A_93 = arith.muli %scan3A_86, %mul3A_92 : i32
        %add3A_94 = arith.constant 0 : i32
        %add3A_95 = arith.addi %add3A_94, %mul3A_93 : i32
        %swap3A_96 = arith.index_cast %add3A_95 : i32 to index
        %swap3A_97 = tpu.vector_load %arg11[%swap3A_96] {strides = array<i32>} : memref<20480xf32, #tpu.memory_space<vmem>>, vector<16xf32>,
        tpu.vector_store %arg11[%swap3A_96], %gather3A_91 {strides = array<i32>} : memref<20480xf32, #tpu.memory_space<vmem>>, vector<16xf32>,
        %scan3A_98 = arith.constant 5 : i32
        %scan3A_99 = arith.addi %scan3A_37, %scan3A_98 : i32
        %mul3A_100 = arith.constant 16 : i32
        %mul3A_101 = arith.muli %scan3A_99, %mul3A_100 : i32
        %get3A_102 = arith.index_cast %mul3A_101 : i32 to index
        %get3A_103 = tpu.vector_load %arg9[%get3A_102] {strides = array<i32>} : memref<5120xi32, #tpu.memory_space<vmem>>, vector<16xi32>,
        %gather3A_104 = tpu.vector_load_idx %arg8[%get3A_103] : memref<100000xf32, #tpu.memory_space<vmem>>[vector<16xi32>], vector<16xf32>,
        %mul3A_105 = arith.constant 16 : i32
        %mul3A_106 = arith.muli %scan3A_99, %mul3A_105 : i32
        %add3A_107 = arith.constant 0 : i32
        %add3A_108 = arith.addi %add3A_107, %mul3A_106 : i32
        %swap3A_109 = arith.index_cast %add3A_108 : i32 to index
        %swap3A_110 = tpu.vector_load %arg11[%swap3A_109] {strides = array<i32>} : memref<20480xf32, #tpu.memory_space<vmem>>, vector<16xf32>,
        tpu.vector_store %arg11[%swap3A_109], %gather3A_104 {strides = array<i32>} : memref<20480xf32, #tpu.memory_space<vmem>>, vector<16xf32>,
        %scan3A_111 = arith.constant 6 : i32
        %scan3A_112 = arith.addi %scan3A_37, %scan3A_111 : i32
        %mul3A_113 = arith.constant 16 : i32
        %mul3A_114 = arith.muli %scan3A_112, %mul3A_113 : i32
        %get3A_115 = arith.index_cast %mul3A_114 : i32 to index
        %get3A_116 = tpu.vector_load %arg9[%get3A_115] {strides = array<i32>} : memref<5120xi32, #tpu.memory_space<vmem>>, vector<16xi32>,
        %gather3A_117 = tpu.vector_load_idx %arg8[%get3A_116] : memref<100000xf32, #tpu.memory_space<vmem>>[vector<16xi32>], vector<16xf32>,
        %mul3A_118 = arith.constant 16 : i32
        %mul3A_119 = arith.muli %scan3A_112, %mul3A_118 : i32
        %add3A_120 = arith.constant 0 : i32
        %add3A_121 = arith.addi %add3A_120, %mul3A_119 : i32
        %swap3A_122 = arith.index_cast %add3A_121 : i32 to index
        %swap3A_123 = tpu.vector_load %arg11[%swap3A_122] {strides = array<i32>} : memref<20480xf32, #tpu.memory_space<vmem>>, vector<16xf32>,
        tpu.vector_store %arg11[%swap3A_122], %gather3A_117 {strides = array<i32>} : memref<20480xf32, #tpu.memory_space<vmem>>, vector<16xf32>,
        %scan3A_124 = arith.constant 7 : i32
        %scan3A_125 = arith.addi %scan3A_37, %scan3A_124 : i32
        %mul3A_126 = arith.constant 16 : i32
        %mul3A_127 = arith.muli %scan3A_125, %mul3A_126 : i32
        %get3A_128 = arith.index_cast %mul3A_127 : i32 to index
        %get3A_129 = tpu.vector_load %arg9[%get3A_128] {strides = array<i32>} : memref<5120xi32, #tpu.memory_space<vmem>>, vector<16xi32>,
        %gather3A_130 = tpu.vector_load_idx %arg8[%get3A_129] : memref<100000xf32, #tpu.memory_space<vmem>>[vector<16xi32>], vector<16xf32>,
        %mul3A_131 = arith.constant 16 : i32
        %mul3A_132 = arith.muli %scan3A_125, %mul3A_131 : i32
        %add3A_133 = arith.constant 0 : i32
        %add3A_134 = arith.addi %add3A_133, %mul3A_132 : i32
        %swap3A_135 = arith.index_cast %add3A_134 : i32 to index
        %swap3A_136 = tpu.vector_load %arg11[%swap3A_135] {strides = array<i32>} : memref<20480xf32, #tpu.memory_space<vmem>>, vector<16xf32>,
        tpu.vector_store %arg11[%swap3A_135], %gather3A_130 {strides = array<i32>} : memref<20480xf32, #tpu.memory_space<vmem>>, vector<16xf32>,
      }
      %scan3A_18 = arith.constant 320 : i32
      "tpu.region"() ({
        %run_scoped3A = tpu.sem_alloc : memref<!tpu.dma_semaphore, #tpu.memory_space<semaphore_mem>>
        %dma_start3A = arith.constant 5120 : i32
        %dma_start3A_37 = tpu.memref_slice %arg2[%scan3A_12, %dma_start3A] : memref<26x20480xi32, #tpu.memory_space<hbm>> -> memref<1x5120xi32, #tpu.memory_space<hbm>>
        %dma_start3A_38 = tpu.memref_squeeze %dma_start3A_37 : memref<1x5120xi32, #tpu.memory_space<hbm>> -> memref<5120xi32, #tpu.memory_space<hbm>>
        %dma_start3A_39 = arith.constant 5120 : i32
        %dma_start3A_40 = tpu.memref_slice %arg2[%scan3A_12, %dma_start3A_39] : memref<26x20480xi32, #tpu.memory_space<hbm>> -> memref<1x5120xi32, #tpu.memory_space<hbm>>
        %dma_start3A_41 = tpu.memref_squeeze %dma_start3A_40 : memref<1x5120xi32, #tpu.memory_space<hbm>> -> memref<5120xi32, #tpu.memory_space<hbm>>
        tpu.enqueue_dma source(%dma_start3A_41 : memref<5120xi32, #tpu.memory_space<hbm>>) target(%arg9 : memref<5120xi32, #tpu.memory_space<vmem>>) target_semaphore(%run_scoped3A : memref<!tpu.dma_semaphore, #tpu.memory_space<semaphore_mem>>)
        %dma_wait3A = arith.constant 5120 : i32
        %dma_wait3A_42 = tpu.memref_slice %arg2[%scan3A_12, %dma_wait3A] : memref<26x20480xi32, #tpu.memory_space<hbm>> -> memref<1x5120xi32, #tpu.memory_space<hbm>>
        %dma_wait3A_43 = tpu.memref_squeeze %dma_wait3A_42 : memref<1x5120xi32, #tpu.memory_space<hbm>> -> memref<5120xi32, #tpu.memory_space<hbm>>
        %dma_wait3A_44 = arith.constant 5120 : i32
        %dma_wait3A_45 = tpu.memref_slice %arg2[%scan3A_12, %dma_wait3A_44] : memref<26x20480xi32, #tpu.memory_space<hbm>> -> memref<1x5120xi32, #tpu.memory_space<hbm>>
        %dma_wait3A_46 = tpu.memref_squeeze %dma_wait3A_45 : memref<1x5120xi32, #tpu.memory_space<hbm>> -> memref<5120xi32, #tpu.memory_space<hbm>>
        tpu.wait_dma2 semaphore(%run_scoped3A : memref<!tpu.dma_semaphore, #tpu.memory_space<semaphore_mem>>) src(%dma_wait3A_46 : memref<5120xi32, #tpu.memory_space<hbm>>) dst(%arg9 : memref<5120xi32, #tpu.memory_space<vmem>>)
        tpu.yield
      }) : () -> ()
      %scan3A_19 = arith.constant 0 : i32
      %scan3A_20 = arith.constant 0 : i32
      %scan3A_21 = arith.constant 320 : i32
      %scan3A_22 = arith.addi %scan3A_20, %scan3A_21 : i32
      %scan3A_23 = arith.constant 8 : i32
      scf.for %scan3A_37 = %scan3A_20 to %scan3A_22 step %scan3A_23  : i32 {
        %mul3A_38 = arith.constant 16 : i32
        %mul3A_39 = arith.muli %scan3A_37, %mul3A_38 : i32
        %get3A = arith.index_cast %mul3A_39 : i32 to index
        %get3A_40 = tpu.vector_load %arg9[%get3A] {strides = array<i32>} : memref<5120xi32, #tpu.memory_space<vmem>>, vector<16xi32>,
        %gather3A = tpu.vector_load_idx %arg8[%get3A_40] : memref<100000xf32, #tpu.memory_space<vmem>>[vector<16xi32>], vector<16xf32>,
        %mul3A_41 = arith.constant 16 : i32
        %mul3A_42 = arith.muli %scan3A_37, %mul3A_41 : i32
        %add3A_43 = arith.constant 5120 : i32
        %add3A_44 = arith.addi %add3A_43, %mul3A_42 : i32
        %swap3A = arith.index_cast %add3A_44 : i32 to index
        %swap3A_45 = tpu.vector_load %arg11[%swap3A] {strides = array<i32>} : memref<20480xf32, #tpu.memory_space<vmem>>, vector<16xf32>,
        tpu.vector_store %arg11[%swap3A], %gather3A {strides = array<i32>} : memref<20480xf32, #tpu.memory_space<vmem>>, vector<16xf32>,
        %scan3A_46 = arith.constant 1 : i32
        %scan3A_47 = arith.addi %scan3A_37, %scan3A_46 : i32
        %mul3A_48 = arith.constant 16 : i32
        %mul3A_49 = arith.muli %scan3A_47, %mul3A_48 : i32
        %get3A_50 = arith.index_cast %mul3A_49 : i32 to index
        %get3A_51 = tpu.vector_load %arg9[%get3A_50] {strides = array<i32>} : memref<5120xi32, #tpu.memory_space<vmem>>, vector<16xi32>,
        %gather3A_52 = tpu.vector_load_idx %arg8[%get3A_51] : memref<100000xf32, #tpu.memory_space<vmem>>[vector<16xi32>], vector<16xf32>,
        %mul3A_53 = arith.constant 16 : i32
        %mul3A_54 = arith.muli %scan3A_47, %mul3A_53 : i32
        %add3A_55 = arith.constant 5120 : i32
        %add3A_56 = arith.addi %add3A_55, %mul3A_54 : i32
        %swap3A_57 = arith.index_cast %add3A_56 : i32 to index
        %swap3A_58 = tpu.vector_load %arg11[%swap3A_57] {strides = array<i32>} : memref<20480xf32, #tpu.memory_space<vmem>>, vector<16xf32>,
        tpu.vector_store %arg11[%swap3A_57], %gather3A_52 {strides = array<i32>} : memref<20480xf32, #tpu.memory_space<vmem>>, vector<16xf32>,
        %scan3A_59 = arith.constant 2 : i32
        %scan3A_60 = arith.addi %scan3A_37, %scan3A_59 : i32
        %mul3A_61 = arith.constant 16 : i32
        %mul3A_62 = arith.muli %scan3A_60, %mul3A_61 : i32
        %get3A_63 = arith.index_cast %mul3A_62 : i32 to index
        %get3A_64 = tpu.vector_load %arg9[%get3A_63] {strides = array<i32>} : memref<5120xi32, #tpu.memory_space<vmem>>, vector<16xi32>,
        %gather3A_65 = tpu.vector_load_idx %arg8[%get3A_64] : memref<100000xf32, #tpu.memory_space<vmem>>[vector<16xi32>], vector<16xf32>,
        %mul3A_66 = arith.constant 16 : i32
        %mul3A_67 = arith.muli %scan3A_60, %mul3A_66 : i32
        %add3A_68 = arith.constant 5120 : i32
        %add3A_69 = arith.addi %add3A_68, %mul3A_67 : i32
        %swap3A_70 = arith.index_cast %add3A_69 : i32 to index
        %swap3A_71 = tpu.vector_load %arg11[%swap3A_70] {strides = array<i32>} : memref<20480xf32, #tpu.memory_space<vmem>>, vector<16xf32>,
        tpu.vector_store %arg11[%swap3A_70], %gather3A_65 {strides = array<i32>} : memref<20480xf32, #tpu.memory_space<vmem>>, vector<16xf32>,
        %scan3A_72 = arith.constant 3 : i32
        %scan3A_73 = arith.addi %scan3A_37, %scan3A_72 : i32
        %mul3A_74 = arith.constant 16 : i32
        %mul3A_75 = arith.muli %scan3A_73, %mul3A_74 : i32
        %get3A_76 = arith.index_cast %mul3A_75 : i32 to index
        %get3A_77 = tpu.vector_load %arg9[%get3A_76] {strides = array<i32>} : memref<5120xi32, #tpu.memory_space<vmem>>, vector<16xi32>,
        %gather3A_78 = tpu.vector_load_idx %arg8[%get3A_77] : memref<100000xf32, #tpu.memory_space<vmem>>[vector<16xi32>], vector<16xf32>,
        %mul3A_79 = arith.constant 16 : i32
        %mul3A_80 = arith.muli %scan3A_73, %mul3A_79 : i32
        %add3A_81 = arith.constant 5120 : i32
        %add3A_82 = arith.addi %add3A_81, %mul3A_80 : i32
        %swap3A_83 = arith.index_cast %add3A_82 : i32 to index
        %swap3A_84 = tpu.vector_load %arg11[%swap3A_83] {strides = array<i32>} : memref<20480xf32, #tpu.memory_space<vmem>>, vector<16xf32>,
        tpu.vector_store %arg11[%swap3A_83], %gather3A_78 {strides = array<i32>} : memref<20480xf32, #tpu.memory_space<vmem>>, vector<16xf32>,
        %scan3A_85 = arith.constant 4 : i32
        %scan3A_86 = arith.addi %scan3A_37, %scan3A_85 : i32
        %mul3A_87 = arith.constant 16 : i32
        %mul3A_88 = arith.muli %scan3A_86, %mul3A_87 : i32
        %get3A_89 = arith.index_cast %mul3A_88 : i32 to index
        %get3A_90 = tpu.vector_load %arg9[%get3A_89] {strides = array<i32>} : memref<5120xi32, #tpu.memory_space<vmem>>, vector<16xi32>,
        %gather3A_91 = tpu.vector_load_idx %arg8[%get3A_90] : memref<100000xf32, #tpu.memory_space<vmem>>[vector<16xi32>], vector<16xf32>,
        %mul3A_92 = arith.constant 16 : i32
        %mul3A_93 = arith.muli %scan3A_86, %mul3A_92 : i32
        %add3A_94 = arith.constant 5120 : i32
        %add3A_95 = arith.addi %add3A_94, %mul3A_93 : i32
        %swap3A_96 = arith.index_cast %add3A_95 : i32 to index
        %swap3A_97 = tpu.vector_load %arg11[%swap3A_96] {strides = array<i32>} : memref<20480xf32, #tpu.memory_space<vmem>>, vector<16xf32>,
        tpu.vector_store %arg11[%swap3A_96], %gather3A_91 {strides = array<i32>} : memref<20480xf32, #tpu.memory_space<vmem>>, vector<16xf32>,
        %scan3A_98 = arith.constant 5 : i32
        %scan3A_99 = arith.addi %scan3A_37, %scan3A_98 : i32
        %mul3A_100 = arith.constant 16 : i32
        %mul3A_101 = arith.muli %scan3A_99, %mul3A_100 : i32
        %get3A_102 = arith.index_cast %mul3A_101 : i32 to index
        %get3A_103 = tpu.vector_load %arg9[%get3A_102] {strides = array<i32>} : memref<5120xi32, #tpu.memory_space<vmem>>, vector<16xi32>,
        %gather3A_104 = tpu.vector_load_idx %arg8[%get3A_103] : memref<100000xf32, #tpu.memory_space<vmem>>[vector<16xi32>], vector<16xf32>,
        %mul3A_105 = arith.constant 16 : i32
        %mul3A_106 = arith.muli %scan3A_99, %mul3A_105 : i32
        %add3A_107 = arith.constant 5120 : i32
        %add3A_108 = arith.addi %add3A_107, %mul3A_106 : i32
        %swap3A_109 = arith.index_cast %add3A_108 : i32 to index
        %swap3A_110 = tpu.vector_load %arg11[%swap3A_109] {strides = array<i32>} : memref<20480xf32, #tpu.memory_space<vmem>>, vector<16xf32>,
        tpu.vector_store %arg11[%swap3A_109], %gather3A_104 {strides = array<i32>} : memref<20480xf32, #tpu.memory_space<vmem>>, vector<16xf32>,
        %scan3A_111 = arith.constant 6 : i32
        %scan3A_112 = arith.addi %scan3A_37, %scan3A_111 : i32
        %mul3A_113 = arith.constant 16 : i32
        %mul3A_114 = arith.muli %scan3A_112, %mul3A_113 : i32
        %get3A_115 = arith.index_cast %mul3A_114 : i32 to index
        %get3A_116 = tpu.vector_load %arg9[%get3A_115] {strides = array<i32>} : memref<5120xi32, #tpu.memory_space<vmem>>, vector<16xi32>,
        %gather3A_117 = tpu.vector_load_idx %arg8[%get3A_116] : memref<100000xf32, #tpu.memory_space<vmem>>[vector<16xi32>], vector<16xf32>,
        %mul3A_118 = arith.constant 16 : i32
        %mul3A_119 = arith.muli %scan3A_112, %mul3A_118 : i32
        %add3A_120 = arith.constant 5120 : i32
        %add3A_121 = arith.addi %add3A_120, %mul3A_119 : i32
        %swap3A_122 = arith.index_cast %add3A_121 : i32 to index
        %swap3A_123 = tpu.vector_load %arg11[%swap3A_122] {strides = array<i32>} : memref<20480xf32, #tpu.memory_space<vmem>>, vector<16xf32>,
        tpu.vector_store %arg11[%swap3A_122], %gather3A_117 {strides = array<i32>} : memref<20480xf32, #tpu.memory_space<vmem>>, vector<16xf32>,
        %scan3A_124 = arith.constant 7 : i32
        %scan3A_125 = arith.addi %scan3A_37, %scan3A_124 : i32
        %mul3A_126 = arith.constant 16 : i32
        %mul3A_127 = arith.muli %scan3A_125, %mul3A_126 : i32
        %get3A_128 = arith.index_cast %mul3A_127 : i32 to index
        %get3A_129 = tpu.vector_load %arg9[%get3A_128] {strides = array<i32>} : memref<5120xi32, #tpu.memory_space<vmem>>, vector<16xi32>,
        %gather3A_130 = tpu.vector_load_idx %arg8[%get3A_129] : memref<100000xf32, #tpu.memory_space<vmem>>[vector<16xi32>], vector<16xf32>,
        %mul3A_131 = arith.constant 16 : i32
        %mul3A_132 = arith.muli %scan3A_125, %mul3A_131 : i32
        %add3A_133 = arith.constant 5120 : i32
        %add3A_134 = arith.addi %add3A_133, %mul3A_132 : i32
        %swap3A_135 = arith.index_cast %add3A_134 : i32 to index
        %swap3A_136 = tpu.vector_load %arg11[%swap3A_135] {strides = array<i32>} : memref<20480xf32, #tpu.memory_space<vmem>>, vector<16xf32>,
        tpu.vector_store %arg11[%swap3A_135], %gather3A_130 {strides = array<i32>} : memref<20480xf32, #tpu.memory_space<vmem>>, vector<16xf32>,
      }
      %scan3A_24 = arith.constant 320 : i32
      "tpu.region"() ({
        %run_scoped3A = tpu.sem_alloc : memref<!tpu.dma_semaphore, #tpu.memory_space<semaphore_mem>>
        %dma_start3A = arith.constant 10240 : i32
        %dma_start3A_37 = tpu.memref_slice %arg2[%scan3A_12, %dma_start3A] : memref<26x20480xi32, #tpu.memory_space<hbm>> -> memref<1x5120xi32, #tpu.memory_space<hbm>>
        %dma_start3A_38 = tpu.memref_squeeze %dma_start3A_37 : memref<1x5120xi32, #tpu.memory_space<hbm>> -> memref<5120xi32, #tpu.memory_space<hbm>>
        %dma_start3A_39 = arith.constant 10240 : i32
        %dma_start3A_40 = tpu.memref_slice %arg2[%scan3A_12, %dma_start3A_39] : memref<26x20480xi32, #tpu.memory_space<hbm>> -> memref<1x5120xi32, #tpu.memory_space<hbm>>
        %dma_start3A_41 = tpu.memref_squeeze %dma_start3A_40 : memref<1x5120xi32, #tpu.memory_space<hbm>> -> memref<5120xi32, #tpu.memory_space<hbm>>
        tpu.enqueue_dma source(%dma_start3A_41 : memref<5120xi32, #tpu.memory_space<hbm>>) target(%arg9 : memref<5120xi32, #tpu.memory_space<vmem>>) target_semaphore(%run_scoped3A : memref<!tpu.dma_semaphore, #tpu.memory_space<semaphore_mem>>)
        %dma_wait3A = arith.constant 10240 : i32
        %dma_wait3A_42 = tpu.memref_slice %arg2[%scan3A_12, %dma_wait3A] : memref<26x20480xi32, #tpu.memory_space<hbm>> -> memref<1x5120xi32, #tpu.memory_space<hbm>>
        %dma_wait3A_43 = tpu.memref_squeeze %dma_wait3A_42 : memref<1x5120xi32, #tpu.memory_space<hbm>> -> memref<5120xi32, #tpu.memory_space<hbm>>
        %dma_wait3A_44 = arith.constant 10240 : i32
        %dma_wait3A_45 = tpu.memref_slice %arg2[%scan3A_12, %dma_wait3A_44] : memref<26x20480xi32, #tpu.memory_space<hbm>> -> memref<1x5120xi32, #tpu.memory_space<hbm>>
        %dma_wait3A_46 = tpu.memref_squeeze %dma_wait3A_45 : memref<1x5120xi32, #tpu.memory_space<hbm>> -> memref<5120xi32, #tpu.memory_space<hbm>>
        tpu.wait_dma2 semaphore(%run_scoped3A : memref<!tpu.dma_semaphore, #tpu.memory_space<semaphore_mem>>) src(%dma_wait3A_46 : memref<5120xi32, #tpu.memory_space<hbm>>) dst(%arg9 : memref<5120xi32, #tpu.memory_space<vmem>>)
        tpu.yield
      }) : () -> ()
      %scan3A_25 = arith.constant 0 : i32
      %scan3A_26 = arith.constant 0 : i32
      %scan3A_27 = arith.constant 320 : i32
      %scan3A_28 = arith.addi %scan3A_26, %scan3A_27 : i32
      %scan3A_29 = arith.constant 8 : i32
      scf.for %scan3A_37 = %scan3A_26 to %scan3A_28 step %scan3A_29  : i32 {
        %mul3A_38 = arith.constant 16 : i32
        %mul3A_39 = arith.muli %scan3A_37, %mul3A_38 : i32
        %get3A = arith.index_cast %mul3A_39 : i32 to index
        %get3A_40 = tpu.vector_load %arg9[%get3A] {strides = array<i32>} : memref<5120xi32, #tpu.memory_space<vmem>>, vector<16xi32>,
        %gather3A = tpu.vector_load_idx %arg8[%get3A_40] : memref<100000xf32, #tpu.memory_space<vmem>>[vector<16xi32>], vector<16xf32>,
        %mul3A_41 = arith.constant 16 : i32
        %mul3A_42 = arith.muli %scan3A_37, %mul3A_41 : i32
        %add3A_43 = arith.constant 10240 : i32
        %add3A_44 = arith.addi %add3A_43, %mul3A_42 : i32
        %swap3A = arith.index_cast %add3A_44 : i32 to index
        %swap3A_45 = tpu.vector_load %arg11[%swap3A] {strides = array<i32>} : memref<20480xf32, #tpu.memory_space<vmem>>, vector<16xf32>,
        tpu.vector_store %arg11[%swap3A], %gather3A {strides = array<i32>} : memref<20480xf32, #tpu.memory_space<vmem>>, vector<16xf32>,
        %scan3A_46 = arith.constant 1 : i32
        %scan3A_47 = arith.addi %scan3A_37, %scan3A_46 : i32
        %mul3A_48 = arith.constant 16 : i32
        %mul3A_49 = arith.muli %scan3A_47, %mul3A_48 : i32
        %get3A_50 = arith.index_cast %mul3A_49 : i32 to index
        %get3A_51 = tpu.vector_load %arg9[%get3A_50] {strides = array<i32>} : memref<5120xi32, #tpu.memory_space<vmem>>, vector<16xi32>,
        %gather3A_52 = tpu.vector_load_idx %arg8[%get3A_51] : memref<100000xf32, #tpu.memory_space<vmem>>[vector<16xi32>], vector<16xf32>,
        %mul3A_53 = arith.constant 16 : i32
        %mul3A_54 = arith.muli %scan3A_47, %mul3A_53 : i32
        %add3A_55 = arith.constant 10240 : i32
        %add3A_56 = arith.addi %add3A_55, %mul3A_54 : i32
        %swap3A_57 = arith.index_cast %add3A_56 : i32 to index
        %swap3A_58 = tpu.vector_load %arg11[%swap3A_57] {strides = array<i32>} : memref<20480xf32, #tpu.memory_space<vmem>>, vector<16xf32>,
        tpu.vector_store %arg11[%swap3A_57], %gather3A_52 {strides = array<i32>} : memref<20480xf32, #tpu.memory_space<vmem>>, vector<16xf32>,
        %scan3A_59 = arith.constant 2 : i32
        %scan3A_60 = arith.addi %scan3A_37, %scan3A_59 : i32
        %mul3A_61 = arith.constant 16 : i32
        %mul3A_62 = arith.muli %scan3A_60, %mul3A_61 : i32
        %get3A_63 = arith.index_cast %mul3A_62 : i32 to index
        %get3A_64 = tpu.vector_load %arg9[%get3A_63] {strides = array<i32>} : memref<5120xi32, #tpu.memory_space<vmem>>, vector<16xi32>,
        %gather3A_65 = tpu.vector_load_idx %arg8[%get3A_64] : memref<100000xf32, #tpu.memory_space<vmem>>[vector<16xi32>], vector<16xf32>,
        %mul3A_66 = arith.constant 16 : i32
        %mul3A_67 = arith.muli %scan3A_60, %mul3A_66 : i32
        %add3A_68 = arith.constant 10240 : i32
        %add3A_69 = arith.addi %add3A_68, %mul3A_67 : i32
        %swap3A_70 = arith.index_cast %add3A_69 : i32 to index
        %swap3A_71 = tpu.vector_load %arg11[%swap3A_70] {strides = array<i32>} : memref<20480xf32, #tpu.memory_space<vmem>>, vector<16xf32>,
        tpu.vector_store %arg11[%swap3A_70], %gather3A_65 {strides = array<i32>} : memref<20480xf32, #tpu.memory_space<vmem>>, vector<16xf32>,
        %scan3A_72 = arith.constant 3 : i32
        %scan3A_73 = arith.addi %scan3A_37, %scan3A_72 : i32
        %mul3A_74 = arith.constant 16 : i32
        %mul3A_75 = arith.muli %scan3A_73, %mul3A_74 : i32
        %get3A_76 = arith.index_cast %mul3A_75 : i32 to index
        %get3A_77 = tpu.vector_load %arg9[%get3A_76] {strides = array<i32>} : memref<5120xi32, #tpu.memory_space<vmem>>, vector<16xi32>,
        %gather3A_78 = tpu.vector_load_idx %arg8[%get3A_77] : memref<100000xf32, #tpu.memory_space<vmem>>[vector<16xi32>], vector<16xf32>,
        %mul3A_79 = arith.constant 16 : i32
        %mul3A_80 = arith.muli %scan3A_73, %mul3A_79 : i32
        %add3A_81 = arith.constant 10240 : i32
        %add3A_82 = arith.addi %add3A_81, %mul3A_80 : i32
        %swap3A_83 = arith.index_cast %add3A_82 : i32 to index
        %swap3A_84 = tpu.vector_load %arg11[%swap3A_83] {strides = array<i32>} : memref<20480xf32, #tpu.memory_space<vmem>>, vector<16xf32>,
        tpu.vector_store %arg11[%swap3A_83], %gather3A_78 {strides = array<i32>} : memref<20480xf32, #tpu.memory_space<vmem>>, vector<16xf32>,
        %scan3A_85 = arith.constant 4 : i32
        %scan3A_86 = arith.addi %scan3A_37, %scan3A_85 : i32
        %mul3A_87 = arith.constant 16 : i32
        %mul3A_88 = arith.muli %scan3A_86, %mul3A_87 : i32
        %get3A_89 = arith.index_cast %mul3A_88 : i32 to index
        %get3A_90 = tpu.vector_load %arg9[%get3A_89] {strides = array<i32>} : memref<5120xi32, #tpu.memory_space<vmem>>, vector<16xi32>,
        %gather3A_91 = tpu.vector_load_idx %arg8[%get3A_90] : memref<100000xf32, #tpu.memory_space<vmem>>[vector<16xi32>], vector<16xf32>,
        %mul3A_92 = arith.constant 16 : i32
        %mul3A_93 = arith.muli %scan3A_86, %mul3A_92 : i32
        %add3A_94 = arith.constant 10240 : i32
        %add3A_95 = arith.addi %add3A_94, %mul3A_93 : i32
        %swap3A_96 = arith.index_cast %add3A_95 : i32 to index
        %swap3A_97 = tpu.vector_load %arg11[%swap3A_96] {strides = array<i32>} : memref<20480xf32, #tpu.memory_space<vmem>>, vector<16xf32>,
        tpu.vector_store %arg11[%swap3A_96], %gather3A_91 {strides = array<i32>} : memref<20480xf32, #tpu.memory_space<vmem>>, vector<16xf32>,
        %scan3A_98 = arith.constant 5 : i32
        %scan3A_99 = arith.addi %scan3A_37, %scan3A_98 : i32
        %mul3A_100 = arith.constant 16 : i32
        %mul3A_101 = arith.muli %scan3A_99, %mul3A_100 : i32
        %get3A_102 = arith.index_cast %mul3A_101 : i32 to index
        %get3A_103 = tpu.vector_load %arg9[%get3A_102] {strides = array<i32>} : memref<5120xi32, #tpu.memory_space<vmem>>, vector<16xi32>,
        %gather3A_104 = tpu.vector_load_idx %arg8[%get3A_103] : memref<100000xf32, #tpu.memory_space<vmem>>[vector<16xi32>], vector<16xf32>,
        %mul3A_105 = arith.constant 16 : i32
        %mul3A_106 = arith.muli %scan3A_99, %mul3A_105 : i32
        %add3A_107 = arith.constant 10240 : i32
        %add3A_108 = arith.addi %add3A_107, %mul3A_106 : i32
        %swap3A_109 = arith.index_cast %add3A_108 : i32 to index
        %swap3A_110 = tpu.vector_load %arg11[%swap3A_109] {strides = array<i32>} : memref<20480xf32, #tpu.memory_space<vmem>>, vector<16xf32>,
        tpu.vector_store %arg11[%swap3A_109], %gather3A_104 {strides = array<i32>} : memref<20480xf32, #tpu.memory_space<vmem>>, vector<16xf32>,
        %scan3A_111 = arith.constant 6 : i32
        %scan3A_112 = arith.addi %scan3A_37, %scan3A_111 : i32
        %mul3A_113 = arith.constant 16 : i32
        %mul3A_114 = arith.muli %scan3A_112, %mul3A_113 : i32
        %get3A_115 = arith.index_cast %mul3A_114 : i32 to index
        %get3A_116 = tpu.vector_load %arg9[%get3A_115] {strides = array<i32>} : memref<5120xi32, #tpu.memory_space<vmem>>, vector<16xi32>,
        %gather3A_117 = tpu.vector_load_idx %arg8[%get3A_116] : memref<100000xf32, #tpu.memory_space<vmem>>[vector<16xi32>], vector<16xf32>,
        %mul3A_118 = arith.constant 16 : i32
        %mul3A_119 = arith.muli %scan3A_112, %mul3A_118 : i32
        %add3A_120 = arith.constant 10240 : i32
        %add3A_121 = arith.addi %add3A_120, %mul3A_119 : i32
        %swap3A_122 = arith.index_cast %add3A_121 : i32 to index
        %swap3A_123 = tpu.vector_load %arg11[%swap3A_122] {strides = array<i32>} : memref<20480xf32, #tpu.memory_space<vmem>>, vector<16xf32>,
        tpu.vector_store %arg11[%swap3A_122], %gather3A_117 {strides = array<i32>} : memref<20480xf32, #tpu.memory_space<vmem>>, vector<16xf32>,
        %scan3A_124 = arith.constant 7 : i32
        %scan3A_125 = arith.addi %scan3A_37, %scan3A_124 : i32
        %mul3A_126 = arith.constant 16 : i32
        %mul3A_127 = arith.muli %scan3A_125, %mul3A_126 : i32
        %get3A_128 = arith.index_cast %mul3A_127 : i32 to index
        %get3A_129 = tpu.vector_load %arg9[%get3A_128] {strides = array<i32>} : memref<5120xi32, #tpu.memory_space<vmem>>, vector<16xi32>,
        %gather3A_130 = tpu.vector_load_idx %arg8[%get3A_129] : memref<100000xf32, #tpu.memory_space<vmem>>[vector<16xi32>], vector<16xf32>,
        %mul3A_131 = arith.constant 16 : i32
        %mul3A_132 = arith.muli %scan3A_125, %mul3A_131 : i32
        %add3A_133 = arith.constant 10240 : i32
        %add3A_134 = arith.addi %add3A_133, %mul3A_132 : i32
        %swap3A_135 = arith.index_cast %add3A_134 : i32 to index
        %swap3A_136 = tpu.vector_load %arg11[%swap3A_135] {strides = array<i32>} : memref<20480xf32, #tpu.memory_space<vmem>>, vector<16xf32>,
        tpu.vector_store %arg11[%swap3A_135], %gather3A_130 {strides = array<i32>} : memref<20480xf32, #tpu.memory_space<vmem>>, vector<16xf32>,
      }
      %scan3A_30 = arith.constant 320 : i32
      "tpu.region"() ({
        %run_scoped3A = tpu.sem_alloc : memref<!tpu.dma_semaphore, #tpu.memory_space<semaphore_mem>>
        %dma_start3A = arith.constant 15360 : i32
        %dma_start3A_37 = tpu.memref_slice %arg2[%scan3A_12, %dma_start3A] : memref<26x20480xi32, #tpu.memory_space<hbm>> -> memref<1x5120xi32, #tpu.memory_space<hbm>>
        %dma_start3A_38 = tpu.memref_squeeze %dma_start3A_37 : memref<1x5120xi32, #tpu.memory_space<hbm>> -> memref<5120xi32, #tpu.memory_space<hbm>>
        %dma_start3A_39 = arith.constant 15360 : i32
        %dma_start3A_40 = tpu.memref_slice %arg2[%scan3A_12, %dma_start3A_39] : memref<26x20480xi32, #tpu.memory_space<hbm>> -> memref<1x5120xi32, #tpu.memory_space<hbm>>
        %dma_start3A_41 = tpu.memref_squeeze %dma_start3A_40 : memref<1x5120xi32, #tpu.memory_space<hbm>> -> memref<5120xi32, #tpu.memory_space<hbm>>
        tpu.enqueue_dma source(%dma_start3A_41 : memref<5120xi32, #tpu.memory_space<hbm>>) target(%arg9 : memref<5120xi32, #tpu.memory_space<vmem>>) target_semaphore(%run_scoped3A : memref<!tpu.dma_semaphore, #tpu.memory_space<semaphore_mem>>)
        %dma_wait3A = arith.constant 15360 : i32
        %dma_wait3A_42 = tpu.memref_slice %arg2[%scan3A_12, %dma_wait3A] : memref<26x20480xi32, #tpu.memory_space<hbm>> -> memref<1x5120xi32, #tpu.memory_space<hbm>>
        %dma_wait3A_43 = tpu.memref_squeeze %dma_wait3A_42 : memref<1x5120xi32, #tpu.memory_space<hbm>> -> memref<5120xi32, #tpu.memory_space<hbm>>
        %dma_wait3A_44 = arith.constant 15360 : i32
        %dma_wait3A_45 = tpu.memref_slice %arg2[%scan3A_12, %dma_wait3A_44] : memref<26x20480xi32, #tpu.memory_space<hbm>> -> memref<1x5120xi32, #tpu.memory_space<hbm>>
        %dma_wait3A_46 = tpu.memref_squeeze %dma_wait3A_45 : memref<1x5120xi32, #tpu.memory_space<hbm>> -> memref<5120xi32, #tpu.memory_space<hbm>>
        tpu.wait_dma2 semaphore(%run_scoped3A : memref<!tpu.dma_semaphore, #tpu.memory_space<semaphore_mem>>) src(%dma_wait3A_46 : memref<5120xi32, #tpu.memory_space<hbm>>) dst(%arg9 : memref<5120xi32, #tpu.memory_space<vmem>>)
        tpu.yield
      }) : () -> ()
      %scan3A_31 = arith.constant 0 : i32
      %scan3A_32 = arith.constant 0 : i32
      %scan3A_33 = arith.constant 320 : i32
      %scan3A_34 = arith.addi %scan3A_32, %scan3A_33 : i32
      %scan3A_35 = arith.constant 8 : i32
      scf.for %scan3A_37 = %scan3A_32 to %scan3A_34 step %scan3A_35  : i32 {
        %mul3A_38 = arith.constant 16 : i32
        %mul3A_39 = arith.muli %scan3A_37, %mul3A_38 : i32
        %get3A = arith.index_cast %mul3A_39 : i32 to index
        %get3A_40 = tpu.vector_load %arg9[%get3A] {strides = array<i32>} : memref<5120xi32, #tpu.memory_space<vmem>>, vector<16xi32>,
        %gather3A = tpu.vector_load_idx %arg8[%get3A_40] : memref<100000xf32, #tpu.memory_space<vmem>>[vector<16xi32>], vector<16xf32>,
        %mul3A_41 = arith.constant 16 : i32
        %mul3A_42 = arith.muli %scan3A_37, %mul3A_41 : i32
        %add3A_43 = arith.constant 15360 : i32
        %add3A_44 = arith.addi %add3A_43, %mul3A_42 : i32
        %swap3A = arith.index_cast %add3A_44 : i32 to index
        %swap3A_45 = tpu.vector_load %arg11[%swap3A] {strides = array<i32>} : memref<20480xf32, #tpu.memory_space<vmem>>, vector<16xf32>,
        tpu.vector_store %arg11[%swap3A], %gather3A {strides = array<i32>} : memref<20480xf32, #tpu.memory_space<vmem>>, vector<16xf32>,
        %scan3A_46 = arith.constant 1 : i32
        %scan3A_47 = arith.addi %scan3A_37, %scan3A_46 : i32
        %mul3A_48 = arith.constant 16 : i32
        %mul3A_49 = arith.muli %scan3A_47, %mul3A_48 : i32
        %get3A_50 = arith.index_cast %mul3A_49 : i32 to index
        %get3A_51 = tpu.vector_load %arg9[%get3A_50] {strides = array<i32>} : memref<5120xi32, #tpu.memory_space<vmem>>, vector<16xi32>,
        %gather3A_52 = tpu.vector_load_idx %arg8[%get3A_51] : memref<100000xf32, #tpu.memory_space<vmem>>[vector<16xi32>], vector<16xf32>,
        %mul3A_53 = arith.constant 16 : i32
        %mul3A_54 = arith.muli %scan3A_47, %mul3A_53 : i32
        %add3A_55 = arith.constant 15360 : i32
        %add3A_56 = arith.addi %add3A_55, %mul3A_54 : i32
        %swap3A_57 = arith.index_cast %add3A_56 : i32 to index
        %swap3A_58 = tpu.vector_load %arg11[%swap3A_57] {strides = array<i32>} : memref<20480xf32, #tpu.memory_space<vmem>>, vector<16xf32>,
        tpu.vector_store %arg11[%swap3A_57], %gather3A_52 {strides = array<i32>} : memref<20480xf32, #tpu.memory_space<vmem>>, vector<16xf32>,
        %scan3A_59 = arith.constant 2 : i32
        %scan3A_60 = arith.addi %scan3A_37, %scan3A_59 : i32
        %mul3A_61 = arith.constant 16 : i32
        %mul3A_62 = arith.muli %scan3A_60, %mul3A_61 : i32
        %get3A_63 = arith.index_cast %mul3A_62 : i32 to index
        %get3A_64 = tpu.vector_load %arg9[%get3A_63] {strides = array<i32>} : memref<5120xi32, #tpu.memory_space<vmem>>, vector<16xi32>,
        %gather3A_65 = tpu.vector_load_idx %arg8[%get3A_64] : memref<100000xf32, #tpu.memory_space<vmem>>[vector<16xi32>], vector<16xf32>,
        %mul3A_66 = arith.constant 16 : i32
        %mul3A_67 = arith.muli %scan3A_60, %mul3A_66 : i32
        %add3A_68 = arith.constant 15360 : i32
        %add3A_69 = arith.addi %add3A_68, %mul3A_67 : i32
        %swap3A_70 = arith.index_cast %add3A_69 : i32 to index
        %swap3A_71 = tpu.vector_load %arg11[%swap3A_70] {strides = array<i32>} : memref<20480xf32, #tpu.memory_space<vmem>>, vector<16xf32>,
        tpu.vector_store %arg11[%swap3A_70], %gather3A_65 {strides = array<i32>} : memref<20480xf32, #tpu.memory_space<vmem>>, vector<16xf32>,
        %scan3A_72 = arith.constant 3 : i32
        %scan3A_73 = arith.addi %scan3A_37, %scan3A_72 : i32
        %mul3A_74 = arith.constant 16 : i32
        %mul3A_75 = arith.muli %scan3A_73, %mul3A_74 : i32
        %get3A_76 = arith.index_cast %mul3A_75 : i32 to index
        %get3A_77 = tpu.vector_load %arg9[%get3A_76] {strides = array<i32>} : memref<5120xi32, #tpu.memory_space<vmem>>, vector<16xi32>,
        %gather3A_78 = tpu.vector_load_idx %arg8[%get3A_77] : memref<100000xf32, #tpu.memory_space<vmem>>[vector<16xi32>], vector<16xf32>,
        %mul3A_79 = arith.constant 16 : i32
        %mul3A_80 = arith.muli %scan3A_73, %mul3A_79 : i32
        %add3A_81 = arith.constant 15360 : i32
        %add3A_82 = arith.addi %add3A_81, %mul3A_80 : i32
        %swap3A_83 = arith.index_cast %add3A_82 : i32 to index
        %swap3A_84 = tpu.vector_load %arg11[%swap3A_83] {strides = array<i32>} : memref<20480xf32, #tpu.memory_space<vmem>>, vector<16xf32>,
        tpu.vector_store %arg11[%swap3A_83], %gather3A_78 {strides = array<i32>} : memref<20480xf32, #tpu.memory_space<vmem>>, vector<16xf32>,
        %scan3A_85 = arith.constant 4 : i32
        %scan3A_86 = arith.addi %scan3A_37, %scan3A_85 : i32
        %mul3A_87 = arith.constant 16 : i32
        %mul3A_88 = arith.muli %scan3A_86, %mul3A_87 : i32
        %get3A_89 = arith.index_cast %mul3A_88 : i32 to index
        %get3A_90 = tpu.vector_load %arg9[%get3A_89] {strides = array<i32>} : memref<5120xi32, #tpu.memory_space<vmem>>, vector<16xi32>,
        %gather3A_91 = tpu.vector_load_idx %arg8[%get3A_90] : memref<100000xf32, #tpu.memory_space<vmem>>[vector<16xi32>], vector<16xf32>,
        %mul3A_92 = arith.constant 16 : i32
        %mul3A_93 = arith.muli %scan3A_86, %mul3A_92 : i32
        %add3A_94 = arith.constant 15360 : i32
        %add3A_95 = arith.addi %add3A_94, %mul3A_93 : i32
        %swap3A_96 = arith.index_cast %add3A_95 : i32 to index
        %swap3A_97 = tpu.vector_load %arg11[%swap3A_96] {strides = array<i32>} : memref<20480xf32, #tpu.memory_space<vmem>>, vector<16xf32>,
        tpu.vector_store %arg11[%swap3A_96], %gather3A_91 {strides = array<i32>} : memref<20480xf32, #tpu.memory_space<vmem>>, vector<16xf32>,
        %scan3A_98 = arith.constant 5 : i32
        %scan3A_99 = arith.addi %scan3A_37, %scan3A_98 : i32
        %mul3A_100 = arith.constant 16 : i32
        %mul3A_101 = arith.muli %scan3A_99, %mul3A_100 : i32
        %get3A_102 = arith.index_cast %mul3A_101 : i32 to index
        %get3A_103 = tpu.vector_load %arg9[%get3A_102] {strides = array<i32>} : memref<5120xi32, #tpu.memory_space<vmem>>, vector<16xi32>,
        %gather3A_104 = tpu.vector_load_idx %arg8[%get3A_103] : memref<100000xf32, #tpu.memory_space<vmem>>[vector<16xi32>], vector<16xf32>,
        %mul3A_105 = arith.constant 16 : i32
        %mul3A_106 = arith.muli %scan3A_99, %mul3A_105 : i32
        %add3A_107 = arith.constant 15360 : i32
        %add3A_108 = arith.addi %add3A_107, %mul3A_106 : i32
        %swap3A_109 = arith.index_cast %add3A_108 : i32 to index
        %swap3A_110 = tpu.vector_load %arg11[%swap3A_109] {strides = array<i32>} : memref<20480xf32, #tpu.memory_space<vmem>>, vector<16xf32>,
        tpu.vector_store %arg11[%swap3A_109], %gather3A_104 {strides = array<i32>} : memref<20480xf32, #tpu.memory_space<vmem>>, vector<16xf32>,
        %scan3A_111 = arith.constant 6 : i32
        %scan3A_112 = arith.addi %scan3A_37, %scan3A_111 : i32
        %mul3A_113 = arith.constant 16 : i32
        %mul3A_114 = arith.muli %scan3A_112, %mul3A_113 : i32
        %get3A_115 = arith.index_cast %mul3A_114 : i32 to index
        %get3A_116 = tpu.vector_load %arg9[%get3A_115] {strides = array<i32>} : memref<5120xi32, #tpu.memory_space<vmem>>, vector<16xi32>,
        %gather3A_117 = tpu.vector_load_idx %arg8[%get3A_116] : memref<100000xf32, #tpu.memory_space<vmem>>[vector<16xi32>], vector<16xf32>,
        %mul3A_118 = arith.constant 16 : i32
        %mul3A_119 = arith.muli %scan3A_112, %mul3A_118 : i32
        %add3A_120 = arith.constant 15360 : i32
        %add3A_121 = arith.addi %add3A_120, %mul3A_119 : i32
        %swap3A_122 = arith.index_cast %add3A_121 : i32 to index
        %swap3A_123 = tpu.vector_load %arg11[%swap3A_122] {strides = array<i32>} : memref<20480xf32, #tpu.memory_space<vmem>>, vector<16xf32>,
        tpu.vector_store %arg11[%swap3A_122], %gather3A_117 {strides = array<i32>} : memref<20480xf32, #tpu.memory_space<vmem>>, vector<16xf32>,
        %scan3A_124 = arith.constant 7 : i32
        %scan3A_125 = arith.addi %scan3A_37, %scan3A_124 : i32
        %mul3A_126 = arith.constant 16 : i32
        %mul3A_127 = arith.muli %scan3A_125, %mul3A_126 : i32
        %get3A_128 = arith.index_cast %mul3A_127 : i32 to index
        %get3A_129 = tpu.vector_load %arg9[%get3A_128] {strides = array<i32>} : memref<5120xi32, #tpu.memory_space<vmem>>, vector<16xi32>,
        %gather3A_130 = tpu.vector_load_idx %arg8[%get3A_129] : memref<100000xf32, #tpu.memory_space<vmem>>[vector<16xi32>], vector<16xf32>,
        %mul3A_131 = arith.constant 16 : i32
        %mul3A_132 = arith.muli %scan3A_125, %mul3A_131 : i32
        %add3A_133 = arith.constant 15360 : i32
        %add3A_134 = arith.addi %add3A_133, %mul3A_132 : i32
        %swap3A_135 = arith.index_cast %add3A_134 : i32 to index
        %swap3A_136 = tpu.vector_load %arg11[%swap3A_135] {strides = array<i32>} : memref<20480xf32, #tpu.memory_space<vmem>>, vector<16xf32>,
        tpu.vector_store %arg11[%swap3A_135], %gather3A_130 {strides = array<i32>} : memref<20480xf32, #tpu.memory_space<vmem>>, vector<16xf32>,
      }
      %scan3A_36 = arith.constant 320 : i32
      "tpu.region"() ({
        %run_scoped3A = tpu.sem_alloc : memref<!tpu.dma_semaphore, #tpu.memory_space<semaphore_mem>>
        %dma_start3A = arith.constant 0 : i32
        %dma_start3A_37 = tpu.memref_slice %arg7[%scan3A_12, %add3A, %dma_start3A] : memref<39x32x20480xf32, #tpu.memory_space<hbm>> -> memref<1x1x20480xf32, #tpu.memory_space<hbm>>
        %dma_start3A_38 = tpu.memref_squeeze %dma_start3A_37 : memref<1x1x20480xf32, #tpu.memory_space<hbm>> -> memref<20480xf32, #tpu.memory_space<hbm>>
        %dma_start3A_39 = arith.constant 0 : i32
        %dma_start3A_40 = tpu.memref_slice %arg7[%scan3A_12, %add3A, %dma_start3A_39] : memref<39x32x20480xf32, #tpu.memory_space<hbm>> -> memref<1x1x20480xf32, #tpu.memory_space<hbm>>
        %dma_start3A_41 = tpu.memref_squeeze %dma_start3A_40 : memref<1x1x20480xf32, #tpu.memory_space<hbm>> -> memref<20480xf32, #tpu.memory_space<hbm>>
        tpu.enqueue_dma source(%arg11 : memref<20480xf32, #tpu.memory_space<vmem>>) target(%dma_start3A_41 : memref<20480xf32, #tpu.memory_space<hbm>>) target_semaphore(%run_scoped3A : memref<!tpu.dma_semaphore, #tpu.memory_space<semaphore_mem>>)
        %dma_wait3A = arith.constant 0 : i32
        %dma_wait3A_42 = tpu.memref_slice %arg7[%scan3A_12, %add3A, %dma_wait3A] : memref<39x32x20480xf32, #tpu.memory_space<hbm>> -> memref<1x1x20480xf32, #tpu.memory_space<hbm>>
        %dma_wait3A_43 = tpu.memref_squeeze %dma_wait3A_42 : memref<1x1x20480xf32, #tpu.memory_space<hbm>> -> memref<20480xf32, #tpu.memory_space<hbm>>
        %dma_wait3A_44 = arith.constant 0 : i32
        %dma_wait3A_45 = tpu.memref_slice %arg7[%scan3A_12, %add3A, %dma_wait3A_44] : memref<39x32x20480xf32, #tpu.memory_space<hbm>> -> memref<1x1x20480xf32, #tpu.memory_space<hbm>>
        %dma_wait3A_46 = tpu.memref_squeeze %dma_wait3A_45 : memref<1x1x20480xf32, #tpu.memory_space<hbm>> -> memref<20480xf32, #tpu.memory_space<hbm>>
        tpu.wait_dma2 semaphore(%run_scoped3A : memref<!tpu.dma_semaphore, #tpu.memory_space<semaphore_mem>>) src(%arg11 : memref<20480xf32, #tpu.memory_space<vmem>>) dst(%dma_wait3A_46 : memref<20480xf32, #tpu.memory_space<hbm>>)
        tpu.yield
      }) : () -> ()
    }
    %scan3A_5 = arith.constant 26 : i32
    %broadcast_in_dim3A = vector.broadcast %add3A : i32 to vector<16xi32>
    %scan3A_6 = arith.constant 0 : i32
    %scan3A_7 = arith.constant 0 : i32
    %scan3A_8 = arith.constant 13 : i32
    %scan3A_9 = arith.addi %scan3A_7, %scan3A_8 : i32
    %scan3A_10 = arith.constant 1 : i32
    scf.for %scan3A_12 = %scan3A_7 to %scan3A_9 step %scan3A_10  : i32 {
      "tpu.region"() ({
        %run_scoped3A = tpu.sem_alloc : memref<!tpu.dma_semaphore, #tpu.memory_space<semaphore_mem>>
        %dma_start3A = arith.constant 0 : i32
        %dma_start3A_40 = tpu.memref_slice %arg5[%scan3A_12, %dma_start3A] : memref<13x32xf32, #tpu.memory_space<hbm>> -> memref<1x32xf32, #tpu.memory_space<hbm>>
        %dma_start3A_41 = tpu.memref_squeeze %dma_start3A_40 : memref<1x32xf32, #tpu.memory_space<hbm>> -> memref<32xf32, #tpu.memory_space<hbm>>
        %dma_start3A_42 = arith.constant 0 : i32
        %dma_start3A_43 = tpu.memref_slice %arg5[%scan3A_12, %dma_start3A_42] : memref<13x32xf32, #tpu.memory_space<hbm>> -> memref<1x32xf32, #tpu.memory_space<hbm>>
        %dma_start3A_44 = tpu.memref_squeeze %dma_start3A_43 : memref<1x32xf32, #tpu.memory_space<hbm>> -> memref<32xf32, #tpu.memory_space<hbm>>
        tpu.enqueue_dma source(%dma_start3A_44 : memref<32xf32, #tpu.memory_space<hbm>>) target(%arg12 : memref<32xf32, #tpu.memory_space<vmem>>) target_semaphore(%run_scoped3A : memref<!tpu.dma_semaphore, #tpu.memory_space<semaphore_mem>>)
        %dma_wait3A = arith.constant 0 : i32
        %dma_wait3A_45 = tpu.memref_slice %arg5[%scan3A_12, %dma_wait3A] : memref<13x32xf32, #tpu.memory_space<hbm>> -> memref<1x32xf32, #tpu.memory_space<hbm>>
        %dma_wait3A_46 = tpu.memref_squeeze %dma_wait3A_45 : memref<1x32xf32, #tpu.memory_space<hbm>> -> memref<32xf32, #tpu.memory_space<hbm>>
        %dma_wait3A_47 = arith.constant 0 : i32
        %dma_wait3A_48 = tpu.memref_slice %arg5[%scan3A_12, %dma_wait3A_47] : memref<13x32xf32, #tpu.memory_space<hbm>> -> memref<1x32xf32, #tpu.memory_space<hbm>>
        %dma_wait3A_49 = tpu.memref_squeeze %dma_wait3A_48 : memref<1x32xf32, #tpu.memory_space<hbm>> -> memref<32xf32, #tpu.memory_space<hbm>>
        tpu.wait_dma2 semaphore(%run_scoped3A : memref<!tpu.dma_semaphore, #tpu.memory_space<semaphore_mem>>) src(%dma_wait3A_49 : memref<32xf32, #tpu.memory_space<hbm>>) dst(%arg12 : memref<32xf32, #tpu.memory_space<vmem>>)
        tpu.yield
      }) : () -> ()
      "tpu.region"() ({
        %run_scoped3A = tpu.sem_alloc : memref<!tpu.dma_semaphore, #tpu.memory_space<semaphore_mem>>
        %dma_start3A = arith.constant 0 : i32
        %dma_start3A_40 = tpu.memref_slice %arg6[%scan3A_12, %dma_start3A] : memref<13x32xf32, #tpu.memory_space<hbm>> -> memref<1x32xf32, #tpu.memory_space<hbm>>
        %dma_start3A_41 = tpu.memref_squeeze %dma_start3A_40 : memref<1x32xf32, #tpu.memory_space<hbm>> -> memref<32xf32, #tpu.memory_space<hbm>>
        %dma_start3A_42 = arith.constant 0 : i32
        %dma_start3A_43 = tpu.memref_slice %arg6[%scan3A_12, %dma_start3A_42] : memref<13x32xf32, #tpu.memory_space<hbm>> -> memref<1x32xf32, #tpu.memory_space<hbm>>
        %dma_start3A_44 = tpu.memref_squeeze %dma_start3A_43 : memref<1x32xf32, #tpu.memory_space<hbm>> -> memref<32xf32, #tpu.memory_space<hbm>>
        tpu.enqueue_dma source(%dma_start3A_44 : memref<32xf32, #tpu.memory_space<hbm>>) target(%arg13 : memref<32xf32, #tpu.memory_space<vmem>>) target_semaphore(%run_scoped3A : memref<!tpu.dma_semaphore, #tpu.memory_space<semaphore_mem>>)
        %dma_wait3A = arith.constant 0 : i32
        %dma_wait3A_45 = tpu.memref_slice %arg6[%scan3A_12, %dma_wait3A] : memref<13x32xf32, #tpu.memory_space<hbm>> -> memref<1x32xf32, #tpu.memory_space<hbm>>
        %dma_wait3A_46 = tpu.memref_squeeze %dma_wait3A_45 : memref<1x32xf32, #tpu.memory_space<hbm>> -> memref<32xf32, #tpu.memory_space<hbm>>
        %dma_wait3A_47 = arith.constant 0 : i32
        %dma_wait3A_48 = tpu.memref_slice %arg6[%scan3A_12, %dma_wait3A_47] : memref<13x32xf32, #tpu.memory_space<hbm>> -> memref<1x32xf32, #tpu.memory_space<hbm>>
        %dma_wait3A_49 = tpu.memref_squeeze %dma_wait3A_48 : memref<1x32xf32, #tpu.memory_space<hbm>> -> memref<32xf32, #tpu.memory_space<hbm>>
        tpu.wait_dma2 semaphore(%run_scoped3A : memref<!tpu.dma_semaphore, #tpu.memory_space<semaphore_mem>>) src(%dma_wait3A_49 : memref<32xf32, #tpu.memory_space<hbm>>) dst(%arg13 : memref<32xf32, #tpu.memory_space<vmem>>)
        tpu.yield
      }) : () -> ()
      %gather3A = tpu.vector_load_idx %arg12[%broadcast_in_dim3A] : memref<32xf32, #tpu.memory_space<vmem>>[vector<16xi32>], vector<16xf32>,
      %gather3A_13 = tpu.vector_load_idx %arg13[%broadcast_in_dim3A] : memref<32xf32, #tpu.memory_space<vmem>>[vector<16xi32>], vector<16xf32>,
      "tpu.region"() ({
        %run_scoped3A = tpu.sem_alloc : memref<!tpu.dma_semaphore, #tpu.memory_space<semaphore_mem>>
        %dma_start3A = arith.constant 0 : i32
        %dma_start3A_40 = tpu.memref_slice %arg3[%scan3A_12, %dma_start3A] : memref<13x20480xf32, #tpu.memory_space<hbm>> -> memref<1x5120xf32, #tpu.memory_space<hbm>>
        %dma_start3A_41 = tpu.memref_squeeze %dma_start3A_40 : memref<1x5120xf32, #tpu.memory_space<hbm>> -> memref<5120xf32, #tpu.memory_space<hbm>>
        %dma_start3A_42 = arith.constant 0 : i32
        %dma_start3A_43 = tpu.memref_slice %arg3[%scan3A_12, %dma_start3A_42] : memref<13x20480xf32, #tpu.memory_space<hbm>> -> memref<1x5120xf32, #tpu.memory_space<hbm>>
        %dma_start3A_44 = tpu.memref_squeeze %dma_start3A_43 : memref<1x5120xf32, #tpu.memory_space<hbm>> -> memref<5120xf32, #tpu.memory_space<hbm>>
        tpu.enqueue_dma source(%dma_start3A_44 : memref<5120xf32, #tpu.memory_space<hbm>>) target(%arg10 : memref<5120xf32, #tpu.memory_space<vmem>>) target_semaphore(%run_scoped3A : memref<!tpu.dma_semaphore, #tpu.memory_space<semaphore_mem>>)
        %dma_wait3A = arith.constant 0 : i32
        %dma_wait3A_45 = tpu.memref_slice %arg3[%scan3A_12, %dma_wait3A] : memref<13x20480xf32, #tpu.memory_space<hbm>> -> memref<1x5120xf32, #tpu.memory_space<hbm>>
        %dma_wait3A_46 = tpu.memref_squeeze %dma_wait3A_45 : memref<1x5120xf32, #tpu.memory_space<hbm>> -> memref<5120xf32, #tpu.memory_space<hbm>>
        %dma_wait3A_47 = arith.constant 0 : i32
        %dma_wait3A_48 = tpu.memref_slice %arg3[%scan3A_12, %dma_wait3A_47] : memref<13x20480xf32, #tpu.memory_space<hbm>> -> memref<1x5120xf32, #tpu.memory_space<hbm>>
        %dma_wait3A_49 = tpu.memref_squeeze %dma_wait3A_48 : memref<1x5120xf32, #tpu.memory_space<hbm>> -> memref<5120xf32, #tpu.memory_space<hbm>>
        tpu.wait_dma2 semaphore(%run_scoped3A : memref<!tpu.dma_semaphore, #tpu.memory_space<semaphore_mem>>) src(%dma_wait3A_49 : memref<5120xf32, #tpu.memory_space<hbm>>) dst(%arg10 : memref<5120xf32, #tpu.memory_space<vmem>>)
        tpu.yield
      }) : () -> ()
      %scan3A_14 = arith.constant 0 : i32
      %scan3A_15 = arith.constant 0 : i32
      %scan3A_16 = arith.constant 320 : i32
      %scan3A_17 = arith.addi %scan3A_15, %scan3A_16 : i32
      %scan3A_18 = arith.constant 8 : i32
      scf.for %scan3A_40 = %scan3A_15 to %scan3A_17 step %scan3A_18  : i32 {
        %mul3A_41 = arith.constant 16 : i32
        %mul3A_42 = arith.muli %scan3A_40, %mul3A_41 : i32
        %get3A = arith.index_cast %mul3A_42 : i32 to index
        %get3A_43 = tpu.vector_load %arg10[%get3A] {strides = array<i32>} : memref<5120xf32, #tpu.memory_space<vmem>>, vector<16xf32>,
        %mul3A_44 = arith.mulf %get3A_43, %gather3A : vector<16xf32>
        %add3A_45 = arith.addf %mul3A_44, %gather3A_13 : vector<16xf32>
        %mul3A_46 = arith.constant 16 : i32
        %mul3A_47 = arith.muli %scan3A_40, %mul3A_46 : i32
        %add3A_48 = arith.constant 0 : i32
        %add3A_49 = arith.addi %add3A_48, %mul3A_47 : i32
        %swap3A = arith.index_cast %add3A_49 : i32 to index
        %swap3A_50 = tpu.vector_load %arg11[%swap3A] {strides = array<i32>} : memref<20480xf32, #tpu.memory_space<vmem>>, vector<16xf32>,
        tpu.vector_store %arg11[%swap3A], %add3A_45 {strides = array<i32>} : memref<20480xf32, #tpu.memory_space<vmem>>, vector<16xf32>,
        %scan3A_51 = arith.constant 1 : i32
        %scan3A_52 = arith.addi %scan3A_40, %scan3A_51 : i32
        %mul3A_53 = arith.constant 16 : i32
        %mul3A_54 = arith.muli %scan3A_52, %mul3A_53 : i32
        %get3A_55 = arith.index_cast %mul3A_54 : i32 to index
        %get3A_56 = tpu.vector_load %arg10[%get3A_55] {strides = array<i32>} : memref<5120xf32, #tpu.memory_space<vmem>>, vector<16xf32>,
        %mul3A_57 = arith.mulf %get3A_56, %gather3A : vector<16xf32>
        %add3A_58 = arith.addf %mul3A_57, %gather3A_13 : vector<16xf32>
        %mul3A_59 = arith.constant 16 : i32
        %mul3A_60 = arith.muli %scan3A_52, %mul3A_59 : i32
        %add3A_61 = arith.constant 0 : i32
        %add3A_62 = arith.addi %add3A_61, %mul3A_60 : i32
        %swap3A_63 = arith.index_cast %add3A_62 : i32 to index
        %swap3A_64 = tpu.vector_load %arg11[%swap3A_63] {strides = array<i32>} : memref<20480xf32, #tpu.memory_space<vmem>>, vector<16xf32>,
        tpu.vector_store %arg11[%swap3A_63], %add3A_58 {strides = array<i32>} : memref<20480xf32, #tpu.memory_space<vmem>>, vector<16xf32>,
        %scan3A_65 = arith.constant 2 : i32
        %scan3A_66 = arith.addi %scan3A_40, %scan3A_65 : i32
        %mul3A_67 = arith.constant 16 : i32
        %mul3A_68 = arith.muli %scan3A_66, %mul3A_67 : i32
        %get3A_69 = arith.index_cast %mul3A_68 : i32 to index
        %get3A_70 = tpu.vector_load %arg10[%get3A_69] {strides = array<i32>} : memref<5120xf32, #tpu.memory_space<vmem>>, vector<16xf32>,
        %mul3A_71 = arith.mulf %get3A_70, %gather3A : vector<16xf32>
        %add3A_72 = arith.addf %mul3A_71, %gather3A_13 : vector<16xf32>
        %mul3A_73 = arith.constant 16 : i32
        %mul3A_74 = arith.muli %scan3A_66, %mul3A_73 : i32
        %add3A_75 = arith.constant 0 : i32
        %add3A_76 = arith.addi %add3A_75, %mul3A_74 : i32
        %swap3A_77 = arith.index_cast %add3A_76 : i32 to index
        %swap3A_78 = tpu.vector_load %arg11[%swap3A_77] {strides = array<i32>} : memref<20480xf32, #tpu.memory_space<vmem>>, vector<16xf32>,
        tpu.vector_store %arg11[%swap3A_77], %add3A_72 {strides = array<i32>} : memref<20480xf32, #tpu.memory_space<vmem>>, vector<16xf32>,
        %scan3A_79 = arith.constant 3 : i32
        %scan3A_80 = arith.addi %scan3A_40, %scan3A_79 : i32
        %mul3A_81 = arith.constant 16 : i32
        %mul3A_82 = arith.muli %scan3A_80, %mul3A_81 : i32
        %get3A_83 = arith.index_cast %mul3A_82 : i32 to index
        %get3A_84 = tpu.vector_load %arg10[%get3A_83] {strides = array<i32>} : memref<5120xf32, #tpu.memory_space<vmem>>, vector<16xf32>,
        %mul3A_85 = arith.mulf %get3A_84, %gather3A : vector<16xf32>
        %add3A_86 = arith.addf %mul3A_85, %gather3A_13 : vector<16xf32>
        %mul3A_87 = arith.constant 16 : i32
        %mul3A_88 = arith.muli %scan3A_80, %mul3A_87 : i32
        %add3A_89 = arith.constant 0 : i32
        %add3A_90 = arith.addi %add3A_89, %mul3A_88 : i32
        %swap3A_91 = arith.index_cast %add3A_90 : i32 to index
        %swap3A_92 = tpu.vector_load %arg11[%swap3A_91] {strides = array<i32>} : memref<20480xf32, #tpu.memory_space<vmem>>, vector<16xf32>,
        tpu.vector_store %arg11[%swap3A_91], %add3A_86 {strides = array<i32>} : memref<20480xf32, #tpu.memory_space<vmem>>, vector<16xf32>,
        %scan3A_93 = arith.constant 4 : i32
        %scan3A_94 = arith.addi %scan3A_40, %scan3A_93 : i32
        %mul3A_95 = arith.constant 16 : i32
        %mul3A_96 = arith.muli %scan3A_94, %mul3A_95 : i32
        %get3A_97 = arith.index_cast %mul3A_96 : i32 to index
        %get3A_98 = tpu.vector_load %arg10[%get3A_97] {strides = array<i32>} : memref<5120xf32, #tpu.memory_space<vmem>>, vector<16xf32>,
        %mul3A_99 = arith.mulf %get3A_98, %gather3A : vector<16xf32>
        %add3A_100 = arith.addf %mul3A_99, %gather3A_13 : vector<16xf32>
        %mul3A_101 = arith.constant 16 : i32
        %mul3A_102 = arith.muli %scan3A_94, %mul3A_101 : i32
        %add3A_103 = arith.constant 0 : i32
        %add3A_104 = arith.addi %add3A_103, %mul3A_102 : i32
        %swap3A_105 = arith.index_cast %add3A_104 : i32 to index
        %swap3A_106 = tpu.vector_load %arg11[%swap3A_105] {strides = array<i32>} : memref<20480xf32, #tpu.memory_space<vmem>>, vector<16xf32>,
        tpu.vector_store %arg11[%swap3A_105], %add3A_100 {strides = array<i32>} : memref<20480xf32, #tpu.memory_space<vmem>>, vector<16xf32>,
        %scan3A_107 = arith.constant 5 : i32
        %scan3A_108 = arith.addi %scan3A_40, %scan3A_107 : i32
        %mul3A_109 = arith.constant 16 : i32
        %mul3A_110 = arith.muli %scan3A_108, %mul3A_109 : i32
        %get3A_111 = arith.index_cast %mul3A_110 : i32 to index
        %get3A_112 = tpu.vector_load %arg10[%get3A_111] {strides = array<i32>} : memref<5120xf32, #tpu.memory_space<vmem>>, vector<16xf32>,
        %mul3A_113 = arith.mulf %get3A_112, %gather3A : vector<16xf32>
        %add3A_114 = arith.addf %mul3A_113, %gather3A_13 : vector<16xf32>
        %mul3A_115 = arith.constant 16 : i32
        %mul3A_116 = arith.muli %scan3A_108, %mul3A_115 : i32
        %add3A_117 = arith.constant 0 : i32
        %add3A_118 = arith.addi %add3A_117, %mul3A_116 : i32
        %swap3A_119 = arith.index_cast %add3A_118 : i32 to index
        %swap3A_120 = tpu.vector_load %arg11[%swap3A_119] {strides = array<i32>} : memref<20480xf32, #tpu.memory_space<vmem>>, vector<16xf32>,
        tpu.vector_store %arg11[%swap3A_119], %add3A_114 {strides = array<i32>} : memref<20480xf32, #tpu.memory_space<vmem>>, vector<16xf32>,
        %scan3A_121 = arith.constant 6 : i32
        %scan3A_122 = arith.addi %scan3A_40, %scan3A_121 : i32
        %mul3A_123 = arith.constant 16 : i32
        %mul3A_124 = arith.muli %scan3A_122, %mul3A_123 : i32
        %get3A_125 = arith.index_cast %mul3A_124 : i32 to index
        %get3A_126 = tpu.vector_load %arg10[%get3A_125] {strides = array<i32>} : memref<5120xf32, #tpu.memory_space<vmem>>, vector<16xf32>,
        %mul3A_127 = arith.mulf %get3A_126, %gather3A : vector<16xf32>
        %add3A_128 = arith.addf %mul3A_127, %gather3A_13 : vector<16xf32>
        %mul3A_129 = arith.constant 16 : i32
        %mul3A_130 = arith.muli %scan3A_122, %mul3A_129 : i32
        %add3A_131 = arith.constant 0 : i32
        %add3A_132 = arith.addi %add3A_131, %mul3A_130 : i32
        %swap3A_133 = arith.index_cast %add3A_132 : i32 to index
        %swap3A_134 = tpu.vector_load %arg11[%swap3A_133] {strides = array<i32>} : memref<20480xf32, #tpu.memory_space<vmem>>, vector<16xf32>,
        tpu.vector_store %arg11[%swap3A_133], %add3A_128 {strides = array<i32>} : memref<20480xf32, #tpu.memory_space<vmem>>, vector<16xf32>,
        %scan3A_135 = arith.constant 7 : i32
        %scan3A_136 = arith.addi %scan3A_40, %scan3A_135 : i32
        %mul3A_137 = arith.constant 16 : i32
        %mul3A_138 = arith.muli %scan3A_136, %mul3A_137 : i32
        %get3A_139 = arith.index_cast %mul3A_138 : i32 to index
        %get3A_140 = tpu.vector_load %arg10[%get3A_139] {strides = array<i32>} : memref<5120xf32, #tpu.memory_space<vmem>>, vector<16xf32>,
        %mul3A_141 = arith.mulf %get3A_140, %gather3A : vector<16xf32>
        %add3A_142 = arith.addf %mul3A_141, %gather3A_13 : vector<16xf32>
        %mul3A_143 = arith.constant 16 : i32
        %mul3A_144 = arith.muli %scan3A_136, %mul3A_143 : i32
        %add3A_145 = arith.constant 0 : i32
        %add3A_146 = arith.addi %add3A_145, %mul3A_144 : i32
        %swap3A_147 = arith.index_cast %add3A_146 : i32 to index
        %swap3A_148 = tpu.vector_load %arg11[%swap3A_147] {strides = array<i32>} : memref<20480xf32, #tpu.memory_space<vmem>>, vector<16xf32>,
        tpu.vector_store %arg11[%swap3A_147], %add3A_142 {strides = array<i32>} : memref<20480xf32, #tpu.memory_space<vmem>>, vector<16xf32>,
      }
      %scan3A_19 = arith.constant 320 : i32
      "tpu.region"() ({
        %run_scoped3A = tpu.sem_alloc : memref<!tpu.dma_semaphore, #tpu.memory_space<semaphore_mem>>
        %dma_start3A = arith.constant 5120 : i32
        %dma_start3A_40 = tpu.memref_slice %arg3[%scan3A_12, %dma_start3A] : memref<13x20480xf32, #tpu.memory_space<hbm>> -> memref<1x5120xf32, #tpu.memory_space<hbm>>
        %dma_start3A_41 = tpu.memref_squeeze %dma_start3A_40 : memref<1x5120xf32, #tpu.memory_space<hbm>> -> memref<5120xf32, #tpu.memory_space<hbm>>
        %dma_start3A_42 = arith.constant 5120 : i32
        %dma_start3A_43 = tpu.memref_slice %arg3[%scan3A_12, %dma_start3A_42] : memref<13x20480xf32, #tpu.memory_space<hbm>> -> memref<1x5120xf32, #tpu.memory_space<hbm>>
        %dma_start3A_44 = tpu.memref_squeeze %dma_start3A_43 : memref<1x5120xf32, #tpu.memory_space<hbm>> -> memref<5120xf32, #tpu.memory_space<hbm>>
        tpu.enqueue_dma source(%dma_start3A_44 : memref<5120xf32, #tpu.memory_space<hbm>>) target(%arg10 : memref<5120xf32, #tpu.memory_space<vmem>>) target_semaphore(%run_scoped3A : memref<!tpu.dma_semaphore, #tpu.memory_space<semaphore_mem>>)
        %dma_wait3A = arith.constant 5120 : i32
        %dma_wait3A_45 = tpu.memref_slice %arg3[%scan3A_12, %dma_wait3A] : memref<13x20480xf32, #tpu.memory_space<hbm>> -> memref<1x5120xf32, #tpu.memory_space<hbm>>
        %dma_wait3A_46 = tpu.memref_squeeze %dma_wait3A_45 : memref<1x5120xf32, #tpu.memory_space<hbm>> -> memref<5120xf32, #tpu.memory_space<hbm>>
        %dma_wait3A_47 = arith.constant 5120 : i32
        %dma_wait3A_48 = tpu.memref_slice %arg3[%scan3A_12, %dma_wait3A_47] : memref<13x20480xf32, #tpu.memory_space<hbm>> -> memref<1x5120xf32, #tpu.memory_space<hbm>>
        %dma_wait3A_49 = tpu.memref_squeeze %dma_wait3A_48 : memref<1x5120xf32, #tpu.memory_space<hbm>> -> memref<5120xf32, #tpu.memory_space<hbm>>
        tpu.wait_dma2 semaphore(%run_scoped3A : memref<!tpu.dma_semaphore, #tpu.memory_space<semaphore_mem>>) src(%dma_wait3A_49 : memref<5120xf32, #tpu.memory_space<hbm>>) dst(%arg10 : memref<5120xf32, #tpu.memory_space<vmem>>)
        tpu.yield
      }) : () -> ()
      %scan3A_20 = arith.constant 0 : i32
      %scan3A_21 = arith.constant 0 : i32
      %scan3A_22 = arith.constant 320 : i32
      %scan3A_23 = arith.addi %scan3A_21, %scan3A_22 : i32
      %scan3A_24 = arith.constant 8 : i32
      scf.for %scan3A_40 = %scan3A_21 to %scan3A_23 step %scan3A_24  : i32 {
        %mul3A_41 = arith.constant 16 : i32
        %mul3A_42 = arith.muli %scan3A_40, %mul3A_41 : i32
        %get3A = arith.index_cast %mul3A_42 : i32 to index
        %get3A_43 = tpu.vector_load %arg10[%get3A] {strides = array<i32>} : memref<5120xf32, #tpu.memory_space<vmem>>, vector<16xf32>,
        %mul3A_44 = arith.mulf %get3A_43, %gather3A : vector<16xf32>
        %add3A_45 = arith.addf %mul3A_44, %gather3A_13 : vector<16xf32>
        %mul3A_46 = arith.constant 16 : i32
        %mul3A_47 = arith.muli %scan3A_40, %mul3A_46 : i32
        %add3A_48 = arith.constant 5120 : i32
        %add3A_49 = arith.addi %add3A_48, %mul3A_47 : i32
        %swap3A = arith.index_cast %add3A_49 : i32 to index
        %swap3A_50 = tpu.vector_load %arg11[%swap3A] {strides = array<i32>} : memref<20480xf32, #tpu.memory_space<vmem>>, vector<16xf32>,
        tpu.vector_store %arg11[%swap3A], %add3A_45 {strides = array<i32>} : memref<20480xf32, #tpu.memory_space<vmem>>, vector<16xf32>,
        %scan3A_51 = arith.constant 1 : i32
        %scan3A_52 = arith.addi %scan3A_40, %scan3A_51 : i32
        %mul3A_53 = arith.constant 16 : i32
        %mul3A_54 = arith.muli %scan3A_52, %mul3A_53 : i32
        %get3A_55 = arith.index_cast %mul3A_54 : i32 to index
        %get3A_56 = tpu.vector_load %arg10[%get3A_55] {strides = array<i32>} : memref<5120xf32, #tpu.memory_space<vmem>>, vector<16xf32>,
        %mul3A_57 = arith.mulf %get3A_56, %gather3A : vector<16xf32>
        %add3A_58 = arith.addf %mul3A_57, %gather3A_13 : vector<16xf32>
        %mul3A_59 = arith.constant 16 : i32
        %mul3A_60 = arith.muli %scan3A_52, %mul3A_59 : i32
        %add3A_61 = arith.constant 5120 : i32
        %add3A_62 = arith.addi %add3A_61, %mul3A_60 : i32
        %swap3A_63 = arith.index_cast %add3A_62 : i32 to index
        %swap3A_64 = tpu.vector_load %arg11[%swap3A_63] {strides = array<i32>} : memref<20480xf32, #tpu.memory_space<vmem>>, vector<16xf32>,
        tpu.vector_store %arg11[%swap3A_63], %add3A_58 {strides = array<i32>} : memref<20480xf32, #tpu.memory_space<vmem>>, vector<16xf32>,
        %scan3A_65 = arith.constant 2 : i32
        %scan3A_66 = arith.addi %scan3A_40, %scan3A_65 : i32
        %mul3A_67 = arith.constant 16 : i32
        %mul3A_68 = arith.muli %scan3A_66, %mul3A_67 : i32
        %get3A_69 = arith.index_cast %mul3A_68 : i32 to index
        %get3A_70 = tpu.vector_load %arg10[%get3A_69] {strides = array<i32>} : memref<5120xf32, #tpu.memory_space<vmem>>, vector<16xf32>,
        %mul3A_71 = arith.mulf %get3A_70, %gather3A : vector<16xf32>
        %add3A_72 = arith.addf %mul3A_71, %gather3A_13 : vector<16xf32>
        %mul3A_73 = arith.constant 16 : i32
        %mul3A_74 = arith.muli %scan3A_66, %mul3A_73 : i32
        %add3A_75 = arith.constant 5120 : i32
        %add3A_76 = arith.addi %add3A_75, %mul3A_74 : i32
        %swap3A_77 = arith.index_cast %add3A_76 : i32 to index
        %swap3A_78 = tpu.vector_load %arg11[%swap3A_77] {strides = array<i32>} : memref<20480xf32, #tpu.memory_space<vmem>>, vector<16xf32>,
        tpu.vector_store %arg11[%swap3A_77], %add3A_72 {strides = array<i32>} : memref<20480xf32, #tpu.memory_space<vmem>>, vector<16xf32>,
        %scan3A_79 = arith.constant 3 : i32
        %scan3A_80 = arith.addi %scan3A_40, %scan3A_79 : i32
        %mul3A_81 = arith.constant 16 : i32
        %mul3A_82 = arith.muli %scan3A_80, %mul3A_81 : i32
        %get3A_83 = arith.index_cast %mul3A_82 : i32 to index
        %get3A_84 = tpu.vector_load %arg10[%get3A_83] {strides = array<i32>} : memref<5120xf32, #tpu.memory_space<vmem>>, vector<16xf32>,
        %mul3A_85 = arith.mulf %get3A_84, %gather3A : vector<16xf32>
        %add3A_86 = arith.addf %mul3A_85, %gather3A_13 : vector<16xf32>
        %mul3A_87 = arith.constant 16 : i32
        %mul3A_88 = arith.muli %scan3A_80, %mul3A_87 : i32
        %add3A_89 = arith.constant 5120 : i32
        %add3A_90 = arith.addi %add3A_89, %mul3A_88 : i32
        %swap3A_91 = arith.index_cast %add3A_90 : i32 to index
        %swap3A_92 = tpu.vector_load %arg11[%swap3A_91] {strides = array<i32>} : memref<20480xf32, #tpu.memory_space<vmem>>, vector<16xf32>,
        tpu.vector_store %arg11[%swap3A_91], %add3A_86 {strides = array<i32>} : memref<20480xf32, #tpu.memory_space<vmem>>, vector<16xf32>,
        %scan3A_93 = arith.constant 4 : i32
        %scan3A_94 = arith.addi %scan3A_40, %scan3A_93 : i32
        %mul3A_95 = arith.constant 16 : i32
        %mul3A_96 = arith.muli %scan3A_94, %mul3A_95 : i32
        %get3A_97 = arith.index_cast %mul3A_96 : i32 to index
        %get3A_98 = tpu.vector_load %arg10[%get3A_97] {strides = array<i32>} : memref<5120xf32, #tpu.memory_space<vmem>>, vector<16xf32>,
        %mul3A_99 = arith.mulf %get3A_98, %gather3A : vector<16xf32>
        %add3A_100 = arith.addf %mul3A_99, %gather3A_13 : vector<16xf32>
        %mul3A_101 = arith.constant 16 : i32
        %mul3A_102 = arith.muli %scan3A_94, %mul3A_101 : i32
        %add3A_103 = arith.constant 5120 : i32
        %add3A_104 = arith.addi %add3A_103, %mul3A_102 : i32
        %swap3A_105 = arith.index_cast %add3A_104 : i32 to index
        %swap3A_106 = tpu.vector_load %arg11[%swap3A_105] {strides = array<i32>} : memref<20480xf32, #tpu.memory_space<vmem>>, vector<16xf32>,
        tpu.vector_store %arg11[%swap3A_105], %add3A_100 {strides = array<i32>} : memref<20480xf32, #tpu.memory_space<vmem>>, vector<16xf32>,
        %scan3A_107 = arith.constant 5 : i32
        %scan3A_108 = arith.addi %scan3A_40, %scan3A_107 : i32
        %mul3A_109 = arith.constant 16 : i32
        %mul3A_110 = arith.muli %scan3A_108, %mul3A_109 : i32
        %get3A_111 = arith.index_cast %mul3A_110 : i32 to index
        %get3A_112 = tpu.vector_load %arg10[%get3A_111] {strides = array<i32>} : memref<5120xf32, #tpu.memory_space<vmem>>, vector<16xf32>,
        %mul3A_113 = arith.mulf %get3A_112, %gather3A : vector<16xf32>
        %add3A_114 = arith.addf %mul3A_113, %gather3A_13 : vector<16xf32>
        %mul3A_115 = arith.constant 16 : i32
        %mul3A_116 = arith.muli %scan3A_108, %mul3A_115 : i32
        %add3A_117 = arith.constant 5120 : i32
        %add3A_118 = arith.addi %add3A_117, %mul3A_116 : i32
        %swap3A_119 = arith.index_cast %add3A_118 : i32 to index
        %swap3A_120 = tpu.vector_load %arg11[%swap3A_119] {strides = array<i32>} : memref<20480xf32, #tpu.memory_space<vmem>>, vector<16xf32>,
        tpu.vector_store %arg11[%swap3A_119], %add3A_114 {strides = array<i32>} : memref<20480xf32, #tpu.memory_space<vmem>>, vector<16xf32>,
        %scan3A_121 = arith.constant 6 : i32
        %scan3A_122 = arith.addi %scan3A_40, %scan3A_121 : i32
        %mul3A_123 = arith.constant 16 : i32
        %mul3A_124 = arith.muli %scan3A_122, %mul3A_123 : i32
        %get3A_125 = arith.index_cast %mul3A_124 : i32 to index
        %get3A_126 = tpu.vector_load %arg10[%get3A_125] {strides = array<i32>} : memref<5120xf32, #tpu.memory_space<vmem>>, vector<16xf32>,
        %mul3A_127 = arith.mulf %get3A_126, %gather3A : vector<16xf32>
        %add3A_128 = arith.addf %mul3A_127, %gather3A_13 : vector<16xf32>
        %mul3A_129 = arith.constant 16 : i32
        %mul3A_130 = arith.muli %scan3A_122, %mul3A_129 : i32
        %add3A_131 = arith.constant 5120 : i32
        %add3A_132 = arith.addi %add3A_131, %mul3A_130 : i32
        %swap3A_133 = arith.index_cast %add3A_132 : i32 to index
        %swap3A_134 = tpu.vector_load %arg11[%swap3A_133] {strides = array<i32>} : memref<20480xf32, #tpu.memory_space<vmem>>, vector<16xf32>,
        tpu.vector_store %arg11[%swap3A_133], %add3A_128 {strides = array<i32>} : memref<20480xf32, #tpu.memory_space<vmem>>, vector<16xf32>,
        %scan3A_135 = arith.constant 7 : i32
        %scan3A_136 = arith.addi %scan3A_40, %scan3A_135 : i32
        %mul3A_137 = arith.constant 16 : i32
        %mul3A_138 = arith.muli %scan3A_136, %mul3A_137 : i32
        %get3A_139 = arith.index_cast %mul3A_138 : i32 to index
        %get3A_140 = tpu.vector_load %arg10[%get3A_139] {strides = array<i32>} : memref<5120xf32, #tpu.memory_space<vmem>>, vector<16xf32>,
        %mul3A_141 = arith.mulf %get3A_140, %gather3A : vector<16xf32>
        %add3A_142 = arith.addf %mul3A_141, %gather3A_13 : vector<16xf32>
        %mul3A_143 = arith.constant 16 : i32
        %mul3A_144 = arith.muli %scan3A_136, %mul3A_143 : i32
        %add3A_145 = arith.constant 5120 : i32
        %add3A_146 = arith.addi %add3A_145, %mul3A_144 : i32
        %swap3A_147 = arith.index_cast %add3A_146 : i32 to index
        %swap3A_148 = tpu.vector_load %arg11[%swap3A_147] {strides = array<i32>} : memref<20480xf32, #tpu.memory_space<vmem>>, vector<16xf32>,
        tpu.vector_store %arg11[%swap3A_147], %add3A_142 {strides = array<i32>} : memref<20480xf32, #tpu.memory_space<vmem>>, vector<16xf32>,
      }
      %scan3A_25 = arith.constant 320 : i32
      "tpu.region"() ({
        %run_scoped3A = tpu.sem_alloc : memref<!tpu.dma_semaphore, #tpu.memory_space<semaphore_mem>>
        %dma_start3A = arith.constant 10240 : i32
        %dma_start3A_40 = tpu.memref_slice %arg3[%scan3A_12, %dma_start3A] : memref<13x20480xf32, #tpu.memory_space<hbm>> -> memref<1x5120xf32, #tpu.memory_space<hbm>>
        %dma_start3A_41 = tpu.memref_squeeze %dma_start3A_40 : memref<1x5120xf32, #tpu.memory_space<hbm>> -> memref<5120xf32, #tpu.memory_space<hbm>>
        %dma_start3A_42 = arith.constant 10240 : i32
        %dma_start3A_43 = tpu.memref_slice %arg3[%scan3A_12, %dma_start3A_42] : memref<13x20480xf32, #tpu.memory_space<hbm>> -> memref<1x5120xf32, #tpu.memory_space<hbm>>
        %dma_start3A_44 = tpu.memref_squeeze %dma_start3A_43 : memref<1x5120xf32, #tpu.memory_space<hbm>> -> memref<5120xf32, #tpu.memory_space<hbm>>
        tpu.enqueue_dma source(%dma_start3A_44 : memref<5120xf32, #tpu.memory_space<hbm>>) target(%arg10 : memref<5120xf32, #tpu.memory_space<vmem>>) target_semaphore(%run_scoped3A : memref<!tpu.dma_semaphore, #tpu.memory_space<semaphore_mem>>)
        %dma_wait3A = arith.constant 10240 : i32
        %dma_wait3A_45 = tpu.memref_slice %arg3[%scan3A_12, %dma_wait3A] : memref<13x20480xf32, #tpu.memory_space<hbm>> -> memref<1x5120xf32, #tpu.memory_space<hbm>>
        %dma_wait3A_46 = tpu.memref_squeeze %dma_wait3A_45 : memref<1x5120xf32, #tpu.memory_space<hbm>> -> memref<5120xf32, #tpu.memory_space<hbm>>
        %dma_wait3A_47 = arith.constant 10240 : i32
        %dma_wait3A_48 = tpu.memref_slice %arg3[%scan3A_12, %dma_wait3A_47] : memref<13x20480xf32, #tpu.memory_space<hbm>> -> memref<1x5120xf32, #tpu.memory_space<hbm>>
        %dma_wait3A_49 = tpu.memref_squeeze %dma_wait3A_48 : memref<1x5120xf32, #tpu.memory_space<hbm>> -> memref<5120xf32, #tpu.memory_space<hbm>>
        tpu.wait_dma2 semaphore(%run_scoped3A : memref<!tpu.dma_semaphore, #tpu.memory_space<semaphore_mem>>) src(%dma_wait3A_49 : memref<5120xf32, #tpu.memory_space<hbm>>) dst(%arg10 : memref<5120xf32, #tpu.memory_space<vmem>>)
        tpu.yield
      }) : () -> ()
      %scan3A_26 = arith.constant 0 : i32
      %scan3A_27 = arith.constant 0 : i32
      %scan3A_28 = arith.constant 320 : i32
      %scan3A_29 = arith.addi %scan3A_27, %scan3A_28 : i32
      %scan3A_30 = arith.constant 8 : i32
      scf.for %scan3A_40 = %scan3A_27 to %scan3A_29 step %scan3A_30  : i32 {
        %mul3A_41 = arith.constant 16 : i32
        %mul3A_42 = arith.muli %scan3A_40, %mul3A_41 : i32
        %get3A = arith.index_cast %mul3A_42 : i32 to index
        %get3A_43 = tpu.vector_load %arg10[%get3A] {strides = array<i32>} : memref<5120xf32, #tpu.memory_space<vmem>>, vector<16xf32>,
        %mul3A_44 = arith.mulf %get3A_43, %gather3A : vector<16xf32>
        %add3A_45 = arith.addf %mul3A_44, %gather3A_13 : vector<16xf32>
        %mul3A_46 = arith.constant 16 : i32
        %mul3A_47 = arith.muli %scan3A_40, %mul3A_46 : i32
        %add3A_48 = arith.constant 10240 : i32
        %add3A_49 = arith.addi %add3A_48, %mul3A_47 : i32
        %swap3A = arith.index_cast %add3A_49 : i32 to index
        %swap3A_50 = tpu.vector_load %arg11[%swap3A] {strides = array<i32>} : memref<20480xf32, #tpu.memory_space<vmem>>, vector<16xf32>,
        tpu.vector_store %arg11[%swap3A], %add3A_45 {strides = array<i32>} : memref<20480xf32, #tpu.memory_space<vmem>>, vector<16xf32>,
        %scan3A_51 = arith.constant 1 : i32
        %scan3A_52 = arith.addi %scan3A_40, %scan3A_51 : i32
        %mul3A_53 = arith.constant 16 : i32
        %mul3A_54 = arith.muli %scan3A_52, %mul3A_53 : i32
        %get3A_55 = arith.index_cast %mul3A_54 : i32 to index
        %get3A_56 = tpu.vector_load %arg10[%get3A_55] {strides = array<i32>} : memref<5120xf32, #tpu.memory_space<vmem>>, vector<16xf32>,
        %mul3A_57 = arith.mulf %get3A_56, %gather3A : vector<16xf32>
        %add3A_58 = arith.addf %mul3A_57, %gather3A_13 : vector<16xf32>
        %mul3A_59 = arith.constant 16 : i32
        %mul3A_60 = arith.muli %scan3A_52, %mul3A_59 : i32
        %add3A_61 = arith.constant 10240 : i32
        %add3A_62 = arith.addi %add3A_61, %mul3A_60 : i32
        %swap3A_63 = arith.index_cast %add3A_62 : i32 to index
        %swap3A_64 = tpu.vector_load %arg11[%swap3A_63] {strides = array<i32>} : memref<20480xf32, #tpu.memory_space<vmem>>, vector<16xf32>,
        tpu.vector_store %arg11[%swap3A_63], %add3A_58 {strides = array<i32>} : memref<20480xf32, #tpu.memory_space<vmem>>, vector<16xf32>,
        %scan3A_65 = arith.constant 2 : i32
        %scan3A_66 = arith.addi %scan3A_40, %scan3A_65 : i32
        %mul3A_67 = arith.constant 16 : i32
        %mul3A_68 = arith.muli %scan3A_66, %mul3A_67 : i32
        %get3A_69 = arith.index_cast %mul3A_68 : i32 to index
        %get3A_70 = tpu.vector_load %arg10[%get3A_69] {strides = array<i32>} : memref<5120xf32, #tpu.memory_space<vmem>>, vector<16xf32>,
        %mul3A_71 = arith.mulf %get3A_70, %gather3A : vector<16xf32>
        %add3A_72 = arith.addf %mul3A_71, %gather3A_13 : vector<16xf32>
        %mul3A_73 = arith.constant 16 : i32
        %mul3A_74 = arith.muli %scan3A_66, %mul3A_73 : i32
        %add3A_75 = arith.constant 10240 : i32
        %add3A_76 = arith.addi %add3A_75, %mul3A_74 : i32
        %swap3A_77 = arith.index_cast %add3A_76 : i32 to index
        %swap3A_78 = tpu.vector_load %arg11[%swap3A_77] {strides = array<i32>} : memref<20480xf32, #tpu.memory_space<vmem>>, vector<16xf32>,
        tpu.vector_store %arg11[%swap3A_77], %add3A_72 {strides = array<i32>} : memref<20480xf32, #tpu.memory_space<vmem>>, vector<16xf32>,
        %scan3A_79 = arith.constant 3 : i32
        %scan3A_80 = arith.addi %scan3A_40, %scan3A_79 : i32
        %mul3A_81 = arith.constant 16 : i32
        %mul3A_82 = arith.muli %scan3A_80, %mul3A_81 : i32
        %get3A_83 = arith.index_cast %mul3A_82 : i32 to index
        %get3A_84 = tpu.vector_load %arg10[%get3A_83] {strides = array<i32>} : memref<5120xf32, #tpu.memory_space<vmem>>, vector<16xf32>,
        %mul3A_85 = arith.mulf %get3A_84, %gather3A : vector<16xf32>
        %add3A_86 = arith.addf %mul3A_85, %gather3A_13 : vector<16xf32>
        %mul3A_87 = arith.constant 16 : i32
        %mul3A_88 = arith.muli %scan3A_80, %mul3A_87 : i32
        %add3A_89 = arith.constant 10240 : i32
        %add3A_90 = arith.addi %add3A_89, %mul3A_88 : i32
        %swap3A_91 = arith.index_cast %add3A_90 : i32 to index
        %swap3A_92 = tpu.vector_load %arg11[%swap3A_91] {strides = array<i32>} : memref<20480xf32, #tpu.memory_space<vmem>>, vector<16xf32>,
        tpu.vector_store %arg11[%swap3A_91], %add3A_86 {strides = array<i32>} : memref<20480xf32, #tpu.memory_space<vmem>>, vector<16xf32>,
        %scan3A_93 = arith.constant 4 : i32
        %scan3A_94 = arith.addi %scan3A_40, %scan3A_93 : i32
        %mul3A_95 = arith.constant 16 : i32
        %mul3A_96 = arith.muli %scan3A_94, %mul3A_95 : i32
        %get3A_97 = arith.index_cast %mul3A_96 : i32 to index
        %get3A_98 = tpu.vector_load %arg10[%get3A_97] {strides = array<i32>} : memref<5120xf32, #tpu.memory_space<vmem>>, vector<16xf32>,
        %mul3A_99 = arith.mulf %get3A_98, %gather3A : vector<16xf32>
        %add3A_100 = arith.addf %mul3A_99, %gather3A_13 : vector<16xf32>
        %mul3A_101 = arith.constant 16 : i32
        %mul3A_102 = arith.muli %scan3A_94, %mul3A_101 : i32
        %add3A_103 = arith.constant 10240 : i32
        %add3A_104 = arith.addi %add3A_103, %mul3A_102 : i32
        %swap3A_105 = arith.index_cast %add3A_104 : i32 to index
        %swap3A_106 = tpu.vector_load %arg11[%swap3A_105] {strides = array<i32>} : memref<20480xf32, #tpu.memory_space<vmem>>, vector<16xf32>,
        tpu.vector_store %arg11[%swap3A_105], %add3A_100 {strides = array<i32>} : memref<20480xf32, #tpu.memory_space<vmem>>, vector<16xf32>,
        %scan3A_107 = arith.constant 5 : i32
        %scan3A_108 = arith.addi %scan3A_40, %scan3A_107 : i32
        %mul3A_109 = arith.constant 16 : i32
        %mul3A_110 = arith.muli %scan3A_108, %mul3A_109 : i32
        %get3A_111 = arith.index_cast %mul3A_110 : i32 to index
        %get3A_112 = tpu.vector_load %arg10[%get3A_111] {strides = array<i32>} : memref<5120xf32, #tpu.memory_space<vmem>>, vector<16xf32>,
        %mul3A_113 = arith.mulf %get3A_112, %gather3A : vector<16xf32>
        %add3A_114 = arith.addf %mul3A_113, %gather3A_13 : vector<16xf32>
        %mul3A_115 = arith.constant 16 : i32
        %mul3A_116 = arith.muli %scan3A_108, %mul3A_115 : i32
        %add3A_117 = arith.constant 10240 : i32
        %add3A_118 = arith.addi %add3A_117, %mul3A_116 : i32
        %swap3A_119 = arith.index_cast %add3A_118 : i32 to index
        %swap3A_120 = tpu.vector_load %arg11[%swap3A_119] {strides = array<i32>} : memref<20480xf32, #tpu.memory_space<vmem>>, vector<16xf32>,
        tpu.vector_store %arg11[%swap3A_119], %add3A_114 {strides = array<i32>} : memref<20480xf32, #tpu.memory_space<vmem>>, vector<16xf32>,
        %scan3A_121 = arith.constant 6 : i32
        %scan3A_122 = arith.addi %scan3A_40, %scan3A_121 : i32
        %mul3A_123 = arith.constant 16 : i32
        %mul3A_124 = arith.muli %scan3A_122, %mul3A_123 : i32
        %get3A_125 = arith.index_cast %mul3A_124 : i32 to index
        %get3A_126 = tpu.vector_load %arg10[%get3A_125] {strides = array<i32>} : memref<5120xf32, #tpu.memory_space<vmem>>, vector<16xf32>,
        %mul3A_127 = arith.mulf %get3A_126, %gather3A : vector<16xf32>
        %add3A_128 = arith.addf %mul3A_127, %gather3A_13 : vector<16xf32>
        %mul3A_129 = arith.constant 16 : i32
        %mul3A_130 = arith.muli %scan3A_122, %mul3A_129 : i32
        %add3A_131 = arith.constant 10240 : i32
        %add3A_132 = arith.addi %add3A_131, %mul3A_130 : i32
        %swap3A_133 = arith.index_cast %add3A_132 : i32 to index
        %swap3A_134 = tpu.vector_load %arg11[%swap3A_133] {strides = array<i32>} : memref<20480xf32, #tpu.memory_space<vmem>>, vector<16xf32>,
        tpu.vector_store %arg11[%swap3A_133], %add3A_128 {strides = array<i32>} : memref<20480xf32, #tpu.memory_space<vmem>>, vector<16xf32>,
        %scan3A_135 = arith.constant 7 : i32
        %scan3A_136 = arith.addi %scan3A_40, %scan3A_135 : i32
        %mul3A_137 = arith.constant 16 : i32
        %mul3A_138 = arith.muli %scan3A_136, %mul3A_137 : i32
        %get3A_139 = arith.index_cast %mul3A_138 : i32 to index
        %get3A_140 = tpu.vector_load %arg10[%get3A_139] {strides = array<i32>} : memref<5120xf32, #tpu.memory_space<vmem>>, vector<16xf32>,
        %mul3A_141 = arith.mulf %get3A_140, %gather3A : vector<16xf32>
        %add3A_142 = arith.addf %mul3A_141, %gather3A_13 : vector<16xf32>
        %mul3A_143 = arith.constant 16 : i32
        %mul3A_144 = arith.muli %scan3A_136, %mul3A_143 : i32
        %add3A_145 = arith.constant 10240 : i32
        %add3A_146 = arith.addi %add3A_145, %mul3A_144 : i32
        %swap3A_147 = arith.index_cast %add3A_146 : i32 to index
        %swap3A_148 = tpu.vector_load %arg11[%swap3A_147] {strides = array<i32>} : memref<20480xf32, #tpu.memory_space<vmem>>, vector<16xf32>,
        tpu.vector_store %arg11[%swap3A_147], %add3A_142 {strides = array<i32>} : memref<20480xf32, #tpu.memory_space<vmem>>, vector<16xf32>,
      }
      %scan3A_31 = arith.constant 320 : i32
      "tpu.region"() ({
        %run_scoped3A = tpu.sem_alloc : memref<!tpu.dma_semaphore, #tpu.memory_space<semaphore_mem>>
        %dma_start3A = arith.constant 15360 : i32
        %dma_start3A_40 = tpu.memref_slice %arg3[%scan3A_12, %dma_start3A] : memref<13x20480xf32, #tpu.memory_space<hbm>> -> memref<1x5120xf32, #tpu.memory_space<hbm>>
        %dma_start3A_41 = tpu.memref_squeeze %dma_start3A_40 : memref<1x5120xf32, #tpu.memory_space<hbm>> -> memref<5120xf32, #tpu.memory_space<hbm>>
        %dma_start3A_42 = arith.constant 15360 : i32
        %dma_start3A_43 = tpu.memref_slice %arg3[%scan3A_12, %dma_start3A_42] : memref<13x20480xf32, #tpu.memory_space<hbm>> -> memref<1x5120xf32, #tpu.memory_space<hbm>>
        %dma_start3A_44 = tpu.memref_squeeze %dma_start3A_43 : memref<1x5120xf32, #tpu.memory_space<hbm>> -> memref<5120xf32, #tpu.memory_space<hbm>>
        tpu.enqueue_dma source(%dma_start3A_44 : memref<5120xf32, #tpu.memory_space<hbm>>) target(%arg10 : memref<5120xf32, #tpu.memory_space<vmem>>) target_semaphore(%run_scoped3A : memref<!tpu.dma_semaphore, #tpu.memory_space<semaphore_mem>>)
        %dma_wait3A = arith.constant 15360 : i32
        %dma_wait3A_45 = tpu.memref_slice %arg3[%scan3A_12, %dma_wait3A] : memref<13x20480xf32, #tpu.memory_space<hbm>> -> memref<1x5120xf32, #tpu.memory_space<hbm>>
        %dma_wait3A_46 = tpu.memref_squeeze %dma_wait3A_45 : memref<1x5120xf32, #tpu.memory_space<hbm>> -> memref<5120xf32, #tpu.memory_space<hbm>>
        %dma_wait3A_47 = arith.constant 15360 : i32
        %dma_wait3A_48 = tpu.memref_slice %arg3[%scan3A_12, %dma_wait3A_47] : memref<13x20480xf32, #tpu.memory_space<hbm>> -> memref<1x5120xf32, #tpu.memory_space<hbm>>
        %dma_wait3A_49 = tpu.memref_squeeze %dma_wait3A_48 : memref<1x5120xf32, #tpu.memory_space<hbm>> -> memref<5120xf32, #tpu.memory_space<hbm>>
        tpu.wait_dma2 semaphore(%run_scoped3A : memref<!tpu.dma_semaphore, #tpu.memory_space<semaphore_mem>>) src(%dma_wait3A_49 : memref<5120xf32, #tpu.memory_space<hbm>>) dst(%arg10 : memref<5120xf32, #tpu.memory_space<vmem>>)
        tpu.yield
      }) : () -> ()
      %scan3A_32 = arith.constant 0 : i32
      %scan3A_33 = arith.constant 0 : i32
      %scan3A_34 = arith.constant 320 : i32
      %scan3A_35 = arith.addi %scan3A_33, %scan3A_34 : i32
      %scan3A_36 = arith.constant 8 : i32
      scf.for %scan3A_40 = %scan3A_33 to %scan3A_35 step %scan3A_36  : i32 {
        %mul3A_41 = arith.constant 16 : i32
        %mul3A_42 = arith.muli %scan3A_40, %mul3A_41 : i32
        %get3A = arith.index_cast %mul3A_42 : i32 to index
        %get3A_43 = tpu.vector_load %arg10[%get3A] {strides = array<i32>} : memref<5120xf32, #tpu.memory_space<vmem>>, vector<16xf32>,
        %mul3A_44 = arith.mulf %get3A_43, %gather3A : vector<16xf32>
        %add3A_45 = arith.addf %mul3A_44, %gather3A_13 : vector<16xf32>
        %mul3A_46 = arith.constant 16 : i32
        %mul3A_47 = arith.muli %scan3A_40, %mul3A_46 : i32
        %add3A_48 = arith.constant 15360 : i32
        %add3A_49 = arith.addi %add3A_48, %mul3A_47 : i32
        %swap3A = arith.index_cast %add3A_49 : i32 to index
        %swap3A_50 = tpu.vector_load %arg11[%swap3A] {strides = array<i32>} : memref<20480xf32, #tpu.memory_space<vmem>>, vector<16xf32>,
        tpu.vector_store %arg11[%swap3A], %add3A_45 {strides = array<i32>} : memref<20480xf32, #tpu.memory_space<vmem>>, vector<16xf32>,
        %scan3A_51 = arith.constant 1 : i32
        %scan3A_52 = arith.addi %scan3A_40, %scan3A_51 : i32
        %mul3A_53 = arith.constant 16 : i32
        %mul3A_54 = arith.muli %scan3A_52, %mul3A_53 : i32
        %get3A_55 = arith.index_cast %mul3A_54 : i32 to index
        %get3A_56 = tpu.vector_load %arg10[%get3A_55] {strides = array<i32>} : memref<5120xf32, #tpu.memory_space<vmem>>, vector<16xf32>,
        %mul3A_57 = arith.mulf %get3A_56, %gather3A : vector<16xf32>
        %add3A_58 = arith.addf %mul3A_57, %gather3A_13 : vector<16xf32>
        %mul3A_59 = arith.constant 16 : i32
        %mul3A_60 = arith.muli %scan3A_52, %mul3A_59 : i32
        %add3A_61 = arith.constant 15360 : i32
        %add3A_62 = arith.addi %add3A_61, %mul3A_60 : i32
        %swap3A_63 = arith.index_cast %add3A_62 : i32 to index
        %swap3A_64 = tpu.vector_load %arg11[%swap3A_63] {strides = array<i32>} : memref<20480xf32, #tpu.memory_space<vmem>>, vector<16xf32>,
        tpu.vector_store %arg11[%swap3A_63], %add3A_58 {strides = array<i32>} : memref<20480xf32, #tpu.memory_space<vmem>>, vector<16xf32>,
        %scan3A_65 = arith.constant 2 : i32
        %scan3A_66 = arith.addi %scan3A_40, %scan3A_65 : i32
        %mul3A_67 = arith.constant 16 : i32
        %mul3A_68 = arith.muli %scan3A_66, %mul3A_67 : i32
        %get3A_69 = arith.index_cast %mul3A_68 : i32 to index
        %get3A_70 = tpu.vector_load %arg10[%get3A_69] {strides = array<i32>} : memref<5120xf32, #tpu.memory_space<vmem>>, vector<16xf32>,
        %mul3A_71 = arith.mulf %get3A_70, %gather3A : vector<16xf32>
        %add3A_72 = arith.addf %mul3A_71, %gather3A_13 : vector<16xf32>
        %mul3A_73 = arith.constant 16 : i32
        %mul3A_74 = arith.muli %scan3A_66, %mul3A_73 : i32
        %add3A_75 = arith.constant 15360 : i32
        %add3A_76 = arith.addi %add3A_75, %mul3A_74 : i32
        %swap3A_77 = arith.index_cast %add3A_76 : i32 to index
        %swap3A_78 = tpu.vector_load %arg11[%swap3A_77] {strides = array<i32>} : memref<20480xf32, #tpu.memory_space<vmem>>, vector<16xf32>,
        tpu.vector_store %arg11[%swap3A_77], %add3A_72 {strides = array<i32>} : memref<20480xf32, #tpu.memory_space<vmem>>, vector<16xf32>,
        %scan3A_79 = arith.constant 3 : i32
        %scan3A_80 = arith.addi %scan3A_40, %scan3A_79 : i32
        %mul3A_81 = arith.constant 16 : i32
        %mul3A_82 = arith.muli %scan3A_80, %mul3A_81 : i32
        %get3A_83 = arith.index_cast %mul3A_82 : i32 to index
        %get3A_84 = tpu.vector_load %arg10[%get3A_83] {strides = array<i32>} : memref<5120xf32, #tpu.memory_space<vmem>>, vector<16xf32>,
        %mul3A_85 = arith.mulf %get3A_84, %gather3A : vector<16xf32>
        %add3A_86 = arith.addf %mul3A_85, %gather3A_13 : vector<16xf32>
        %mul3A_87 = arith.constant 16 : i32
        %mul3A_88 = arith.muli %scan3A_80, %mul3A_87 : i32
        %add3A_89 = arith.constant 15360 : i32
        %add3A_90 = arith.addi %add3A_89, %mul3A_88 : i32
        %swap3A_91 = arith.index_cast %add3A_90 : i32 to index
        %swap3A_92 = tpu.vector_load %arg11[%swap3A_91] {strides = array<i32>} : memref<20480xf32, #tpu.memory_space<vmem>>, vector<16xf32>,
        tpu.vector_store %arg11[%swap3A_91], %add3A_86 {strides = array<i32>} : memref<20480xf32, #tpu.memory_space<vmem>>, vector<16xf32>,
        %scan3A_93 = arith.constant 4 : i32
        %scan3A_94 = arith.addi %scan3A_40, %scan3A_93 : i32
        %mul3A_95 = arith.constant 16 : i32
        %mul3A_96 = arith.muli %scan3A_94, %mul3A_95 : i32
        %get3A_97 = arith.index_cast %mul3A_96 : i32 to index
        %get3A_98 = tpu.vector_load %arg10[%get3A_97] {strides = array<i32>} : memref<5120xf32, #tpu.memory_space<vmem>>, vector<16xf32>,
        %mul3A_99 = arith.mulf %get3A_98, %gather3A : vector<16xf32>
        %add3A_100 = arith.addf %mul3A_99, %gather3A_13 : vector<16xf32>
        %mul3A_101 = arith.constant 16 : i32
        %mul3A_102 = arith.muli %scan3A_94, %mul3A_101 : i32
        %add3A_103 = arith.constant 15360 : i32
        %add3A_104 = arith.addi %add3A_103, %mul3A_102 : i32
        %swap3A_105 = arith.index_cast %add3A_104 : i32 to index
        %swap3A_106 = tpu.vector_load %arg11[%swap3A_105] {strides = array<i32>} : memref<20480xf32, #tpu.memory_space<vmem>>, vector<16xf32>,
        tpu.vector_store %arg11[%swap3A_105], %add3A_100 {strides = array<i32>} : memref<20480xf32, #tpu.memory_space<vmem>>, vector<16xf32>,
        %scan3A_107 = arith.constant 5 : i32
        %scan3A_108 = arith.addi %scan3A_40, %scan3A_107 : i32
        %mul3A_109 = arith.constant 16 : i32
        %mul3A_110 = arith.muli %scan3A_108, %mul3A_109 : i32
        %get3A_111 = arith.index_cast %mul3A_110 : i32 to index
        %get3A_112 = tpu.vector_load %arg10[%get3A_111] {strides = array<i32>} : memref<5120xf32, #tpu.memory_space<vmem>>, vector<16xf32>,
        %mul3A_113 = arith.mulf %get3A_112, %gather3A : vector<16xf32>
        %add3A_114 = arith.addf %mul3A_113, %gather3A_13 : vector<16xf32>
        %mul3A_115 = arith.constant 16 : i32
        %mul3A_116 = arith.muli %scan3A_108, %mul3A_115 : i32
        %add3A_117 = arith.constant 15360 : i32
        %add3A_118 = arith.addi %add3A_117, %mul3A_116 : i32
        %swap3A_119 = arith.index_cast %add3A_118 : i32 to index
        %swap3A_120 = tpu.vector_load %arg11[%swap3A_119] {strides = array<i32>} : memref<20480xf32, #tpu.memory_space<vmem>>, vector<16xf32>,
        tpu.vector_store %arg11[%swap3A_119], %add3A_114 {strides = array<i32>} : memref<20480xf32, #tpu.memory_space<vmem>>, vector<16xf32>,
        %scan3A_121 = arith.constant 6 : i32
        %scan3A_122 = arith.addi %scan3A_40, %scan3A_121 : i32
        %mul3A_123 = arith.constant 16 : i32
        %mul3A_124 = arith.muli %scan3A_122, %mul3A_123 : i32
        %get3A_125 = arith.index_cast %mul3A_124 : i32 to index
        %get3A_126 = tpu.vector_load %arg10[%get3A_125] {strides = array<i32>} : memref<5120xf32, #tpu.memory_space<vmem>>, vector<16xf32>,
        %mul3A_127 = arith.mulf %get3A_126, %gather3A : vector<16xf32>
        %add3A_128 = arith.addf %mul3A_127, %gather3A_13 : vector<16xf32>
        %mul3A_129 = arith.constant 16 : i32
        %mul3A_130 = arith.muli %scan3A_122, %mul3A_129 : i32
        %add3A_131 = arith.constant 15360 : i32
        %add3A_132 = arith.addi %add3A_131, %mul3A_130 : i32
        %swap3A_133 = arith.index_cast %add3A_132 : i32 to index
        %swap3A_134 = tpu.vector_load %arg11[%swap3A_133] {strides = array<i32>} : memref<20480xf32, #tpu.memory_space<vmem>>, vector<16xf32>,
        tpu.vector_store %arg11[%swap3A_133], %add3A_128 {strides = array<i32>} : memref<20480xf32, #tpu.memory_space<vmem>>, vector<16xf32>,
        %scan3A_135 = arith.constant 7 : i32
        %scan3A_136 = arith.addi %scan3A_40, %scan3A_135 : i32
        %mul3A_137 = arith.constant 16 : i32
        %mul3A_138 = arith.muli %scan3A_136, %mul3A_137 : i32
        %get3A_139 = arith.index_cast %mul3A_138 : i32 to index
        %get3A_140 = tpu.vector_load %arg10[%get3A_139] {strides = array<i32>} : memref<5120xf32, #tpu.memory_space<vmem>>, vector<16xf32>,
        %mul3A_141 = arith.mulf %get3A_140, %gather3A : vector<16xf32>
        %add3A_142 = arith.addf %mul3A_141, %gather3A_13 : vector<16xf32>
        %mul3A_143 = arith.constant 16 : i32
        %mul3A_144 = arith.muli %scan3A_136, %mul3A_143 : i32
        %add3A_145 = arith.constant 15360 : i32
        %add3A_146 = arith.addi %add3A_145, %mul3A_144 : i32
        %swap3A_147 = arith.index_cast %add3A_146 : i32 to index
        %swap3A_148 = tpu.vector_load %arg11[%swap3A_147] {strides = array<i32>} : memref<20480xf32, #tpu.memory_space<vmem>>, vector<16xf32>,
        tpu.vector_store %arg11[%swap3A_147], %add3A_142 {strides = array<i32>} : memref<20480xf32, #tpu.memory_space<vmem>>, vector<16xf32>,
      }
      %scan3A_37 = arith.constant 320 : i32
      %add3A_38 = arith.constant 26 : i32
      %add3A_39 = arith.addi %add3A_38, %scan3A_12 : i32
      "tpu.region"() ({
        %run_scoped3A = tpu.sem_alloc : memref<!tpu.dma_semaphore, #tpu.memory_space<semaphore_mem>>
        %dma_start3A = arith.constant 0 : i32
        %dma_start3A_40 = tpu.memref_slice %arg7[%add3A_39, %add3A, %dma_start3A] : memref<39x32x20480xf32, #tpu.memory_space<hbm>> -> memref<1x1x20480xf32, #tpu.memory_space<hbm>>
        %dma_start3A_41 = tpu.memref_squeeze %dma_start3A_40 : memref<1x1x20480xf32, #tpu.memory_space<hbm>> -> memref<20480xf32, #tpu.memory_space<hbm>>
        %dma_start3A_42 = arith.constant 0 : i32
        %dma_start3A_43 = tpu.memref_slice %arg7[%add3A_39, %add3A, %dma_start3A_42] : memref<39x32x20480xf32, #tpu.memory_space<hbm>> -> memref<1x1x20480xf32, #tpu.memory_space<hbm>>
        %dma_start3A_44 = tpu.memref_squeeze %dma_start3A_43 : memref<1x1x20480xf32, #tpu.memory_space<hbm>> -> memref<20480xf32, #tpu.memory_space<hbm>>
        tpu.enqueue_dma source(%arg11 : memref<20480xf32, #tpu.memory_space<vmem>>) target(%dma_start3A_44 : memref<20480xf32, #tpu.memory_space<hbm>>) target_semaphore(%run_scoped3A : memref<!tpu.dma_semaphore, #tpu.memory_space<semaphore_mem>>)
        %dma_wait3A = arith.constant 0 : i32
        %dma_wait3A_45 = tpu.memref_slice %arg7[%add3A_39, %add3A, %dma_wait3A] : memref<39x32x20480xf32, #tpu.memory_space<hbm>> -> memref<1x1x20480xf32, #tpu.memory_space<hbm>>
        %dma_wait3A_46 = tpu.memref_squeeze %dma_wait3A_45 : memref<1x1x20480xf32, #tpu.memory_space<hbm>> -> memref<20480xf32, #tpu.memory_space<hbm>>
        %dma_wait3A_47 = arith.constant 0 : i32
        %dma_wait3A_48 = tpu.memref_slice %arg7[%add3A_39, %add3A, %dma_wait3A_47] : memref<39x32x20480xf32, #tpu.memory_space<hbm>> -> memref<1x1x20480xf32, #tpu.memory_space<hbm>>
        %dma_wait3A_49 = tpu.memref_squeeze %dma_wait3A_48 : memref<1x1x20480xf32, #tpu.memory_space<hbm>> -> memref<20480xf32, #tpu.memory_space<hbm>>
        tpu.wait_dma2 semaphore(%run_scoped3A : memref<!tpu.dma_semaphore, #tpu.memory_space<semaphore_mem>>) src(%arg11 : memref<20480xf32, #tpu.memory_space<vmem>>) dst(%dma_wait3A_49 : memref<20480xf32, #tpu.memory_space<hbm>>)
        tpu.yield
      }) : () -> ()
    }
    %scan3A_11 = arith.constant 13 : i32
    return
  }
}

</mosaic_0001>

<sc_bundles>
// kernel: emb_layer_sc.3.cloned.1.call-start
scs
__scs_entry_jumppad:
0x0: {  	(pc) =	sbr.rel $0x88, $3  }
0x1: {  	(tag) =	ssettag $0x0;
	lr =	simm.s32 $0x1  }
0x2: {  	[smem:$0x3F9C] =	sst lr;
	_ =	strace $0xD0000000  }
0x3: {  	_ = 	snop  }
0x4: {  	_ = 	snop  }
0x5: {  	_ = 	snop  }
0x6: {  	_ = 	snop  }
0x7: {  	_ = 	snop  }
__scs_overlays_trampoline_lowered:
0x8: {  	[smem:$0x3FAB] =	sst s0  }
0x9: {  	[smem:$0x3FAC] =	sst s1  }
0xa: {  	[smem:$0x3FAD] =	sst s2  }
0xb: {  	[smem:$0x3FAE] =	sst s3  }
0xc: {  	[smem:$0x3FAF] =	sst s4  }
0xd: {  	[smem:$0x3FB0] =	sst s5  }
0xe: {  	[smem:$0x3FB1] =	sst s6  }
0xf: {  	[smem:$0x3FB2] =	sst s7  }
0x10: {  	[smem:$0x3FB3] =	sst s8  }
0x11: {  	[smem:$0x3FB4] =	sst s9;
	s0 =	simm.s32 @!p0 $0x0  }
0x12: {  	s1 =	sld [smem:$0x3F9A];
	s0 =	simm.s32 @p0 $0x1  }
0x13: {  	[smem:$0x3FB5] =	sst s0;
	s0 =	simm.s32 @!p1 $0x0  }
0x14: {  	s2 =	sld [smem:$0x3F99];
	s0 =	simm.s32 @p1 $0x1  }
0x15: {  	[smem:$0x3FB6] =	sst s0;
	s0 =	simm.s32 @!p2 $0x0  }
0x16: {  	s3 =	sld [smem:$0x3FDB];
	s0 =	simm.s32 @p2 $0x1  }
0x17: {  	s4 =	simm.s32 $0x1BF5;
	[smem:$0x3FB8] =	sst s0  }
0x18: {  	s0 =	sld [smem:$0x3F9B];
	_ =	swait.ge [sflag:s4], $0x0  }
0x19: {  	s7 =	sld [smem:$0x3F9C]  }
0x1a: {  	s8 =	sadd.s32 $0xFFFFE003, lr  }
0x1b: {  	s9 =	sadd.s32 $0xFFFFFEF7, lr;
	s5 =	simm.s32 $0xFFFFFFFF;
	p2 =	slt.u32 s8, $0xFFFFF086  }
0x1c: {  	p1 =	slt.u32 s9, $0xF7A;
	s5 =	simm.s32 @!p2 $0x0  }
0x1d: {  	s5 =	simm.s32 @p1 $0x1;
	p0 =	seq.s32 s7, s2  }
0x1e: {  	s7 =	smul.u32 @!p0 $0xF7A, s2;
	p2 =	seq.s32 @!p0 s5, $0x0  }
0x1f: {  	s9 =	smul.u32 $0xF7A, s1;
	s8 =	simm.s32 @!p0 $0x1BF5;
	p2 =	por !p2, p0  }
0x20: {  	[sflag:s8] =	ssyncset.s32 @!p0 $0xFFFFF086;
	s6 =	sadd.s32 @!p0 s3, s7;
	s7 =	simm.s32 @!p0 $0x108  }
0x21: {  	s3 =	sadd.s32 s3, s9;
	s6 =	sadd.s32 @!p0 $0x88, s6;
	s7 =	simm.s32 @p2 $0x1082  }
0x22: {  	[simem:s7], [sflag:s8] =	dma.local @!p0 [hbm:s6], $0xF7A  }
0x23: {  	s9 =	sor.u32 $0xD0000000, s2;
	s6 =	simm.s32 $0x108;
	_ =	swait.ge @!p0 [sflag:s8], $0x0  }
0x24: {  	s3 =	sadd.s32 $0x88, s3;
	s6 =	simm.s32 @!p1 $0x1082;
	[sflag:s4] =	ssyncset.s32 $0xFFFFF086  }
0x25: {  	[simem:s6], [sflag:s4] =	dma.local [hbm:s3], $0xF7A  }
0x26: {  	[smem:$0x3F9C] =	sst s1;
	(tag) =	ssettag s2;
	_ =	strace s9  }
0x27: {  	s1 =	sld [smem:$0x3FAC]  }
0x28: {  	s2 =	sld [smem:$0x3FAD]  }
0x29: {  	s4 =	sld [smem:$0x3FAF]  }
0x2a: {  	p0 =	seq.s32 s5, $0x0;
	s5 =	sld [smem:$0x3FB0]  }
0x2b: {  	s6 =	sld [smem:$0x3FB1]  }
0x2c: {  	s7 =	sld [smem:$0x3FB2]  }
0x2d: {  	s3 =	simm.s32 $0x108;
	s8 =	sld [smem:$0x3FB3]  }
0x2e: {  	s3 =	simm.s32 @!p0 $0x1082;
	s9 =	sld [smem:$0x3FB4]  }
0x2f: {  	lr =	sadd.s32 s0, s3;
	s0 =	sld [smem:$0x3FAB]  }
0x30: {  	s3 =	sld [smem:$0x3FAE]  }
0x31: {  	[smem:$0x3FB7] =	sst s10  }
0x32: {  	s10 =	sld [smem:$0x3FB5];
	_ =	sdelay $0x3  }
0x33: {  	p0 =	seq.s32 s10, $0x1;
	s10 =	sld [smem:$0x3FB7];
	_ =	sdelay $0x3  }
0x34: {  	[smem:$0x3FB7] =	sst s10  }
0x35: {  	s10 =	sld [smem:$0x3FB6];
	_ =	sdelay $0x3  }
0x36: {  	p1 =	seq.s32 s10, $0x1;
	s10 =	sld [smem:$0x3FB7];
	_ =	sdelay $0x3  }
0x37: {  	[smem:$0x3FB7] =	sst s10  }
0x38: {  	s10 =	sld [smem:$0x3FB8]  }
0x39: {  	_ = 	snop;
	(pc) =	sbr.ind lr, $3  }
0x3a: {  	_ = 	snop  }
0x3b: {  	_ = 	snop  }
0x3c: {  	p2 =	seq.s32 s10, $0x1;
	s10 =	sld [smem:$0x3FB7]  }
0x3d: {  	_ =	shalt  }
0x3e: {  	_ =	shalt  }
0x3f: {  	_ =	shalt  }
0x40: {  	_ =	shalt  }
0x41: {  	_ =	shalt  }
0x42: {  	_ =	shalt  }
0x43: {  	_ =	shalt  }
0x44: {  	_ =	shalt  }
0x45: {  	_ =	shalt  }
0x46: {  	_ =	shalt  }
0x47: {  	_ =	shalt  }
0x48: {  	_ =	shalt  }
0x49: {  	_ =	shalt  }
0x4a: {  	_ =	shalt  }
0x4b: {  	_ =	shalt  }
0x4c: {  	_ =	shalt  }
0x4d: {  	_ =	shalt  }
0x4e: {  	_ =	shalt  }
0x4f: {  	_ =	shalt  }
0x50: {  	_ =	shalt  }
0x51: {  	_ =	shalt  }
0x52: {  	_ =	shalt  }
0x53: {  	_ =	shalt  }
0x54: {  	_ =	shalt  }
0x55: {  	_ =	shalt  }
0x56: {  	_ =	shalt  }
0x57: {  	_ =	shalt  }
0x58: {  	_ =	shalt  }
0x59: {  	_ =	shalt  }
0x5a: {  	_ =	shalt  }
0x5b: {  	_ =	shalt  }
0x5c: {  	_ =	shalt  }
0x5d: {  	_ =	shalt  }
0x5e: {  	_ =	shalt  }
0x5f: {  	_ =	shalt  }
0x60: {  	_ =	shalt  }
0x61: {  	_ =	shalt  }
0x62: {  	_ =	shalt  }
0x63: {  	_ =	shalt  }
0x64: {  	_ =	shalt  }
0x65: {  	_ =	shalt  }
0x66: {  	_ =	shalt  }
0x67: {  	_ =	shalt  }
0x68: {  	_ =	shalt  }
0x69: {  	_ =	shalt  }
0x6a: {  	_ =	shalt  }
0x6b: {  	_ =	shalt  }
0x6c: {  	_ =	shalt  }
0x6d: {  	_ =	shalt  }
0x6e: {  	_ =	shalt  }
0x6f: {  	_ =	shalt  }
0x70: {  	_ =	shalt  }
0x71: {  	_ =	shalt  }
0x72: {  	_ =	shalt  }
0x73: {  	_ =	shalt  }
0x74: {  	_ =	shalt  }
0x75: {  	_ =	shalt  }
0x76: {  	_ =	shalt  }
0x77: {  	_ =	shalt  }
0x78: {  	_ =	shalt  }
0x79: {  	_ =	shalt  }
0x7a: {  	_ =	shalt  }
0x7b: {  	_ =	shalt  }
0x7c: {  	_ =	shalt  }
0x7d: {  	_ =	shalt  }
0x7e: {  	_ =	shalt  }
0x7f: {  	_ =	shalt  }
0x80: {  	_ =	shalt  }
0x81: {  	_ =	shalt  }
0x82: {  	_ =	shalt  }
0x83: {  	_ =	shalt  }
0x84: {  	_ =	shalt  }
0x85: {  	_ =	shalt  }
0x86: {  	_ =	shalt  }
0x87: {  	_ =	shalt  }
.Lfunc_end0:
.L_simem_size_0:
called_computation_lowered:
.L_overlay_start_0:
0x88: {  	s2 =	sld [smem:$0x3FD9]  }
0x89: {  	s3 =	sld [smem:$0x3FFE];
	_ =	sdelay $0x1  }
0x8a: {  	s1 =	srdreg.scid  }
0x8b: {  	s0 =	sand.u32 $0x1, s1  }
0x8c: {  	s17 =	sshll.u32 s0, $0xA;
	s2 =	sadd.s32 s3, s2  }
0x8d: {  	s2 =	sadd.s32 s2, s17  }
0x8e: {  	[smem:$0x3FC3] =	sst s2  }
0x8f: {  	_ = 	snop  }
0x90: {  	s2 =	sld [smem:$0x3FC7]  }
0x91: {  	s18 =	sld [smem:$0x3FC6]  }
0x92: {  	s4 =	sld [smem:$0x3FC5]  }
0x93: {  	s5 =	sld [smem:$0x3FD0];
	(tm) =	ssettm $0x1  }
0x94: {  	s6 =	sld [smem:$0x3FFB];
	_ =	sdelay $0x3  }
0x95: {  	_ =	strace s6  }
0x96: {  	s6 =	sld [smem:$0x3FFC];
	_ =	sdelay $0x3  }
0x97: {  	_ =	strace s6  }
0x98: {  	s6 =	sld [smem:$0x3FFD];
	_ =	sdelay $0x3  }
0x99: {  	_ =	strace s6  }
0x9a: {  	_ =	strace $0x8FFFFFFF  }
0x9b: {  	s19 =	sld [smem:$0x3FDB];
	_ =	sdelay $0x1  }
0x9c: {  	s7 =	simm.s32 $_scs_section_size  }
0x9d: {  	s8 =	simm.s32 $_size__tile_overlayer_lowered;
	s9 =	simm.s32 $_tile_overlayer_lowered  }
0x9e: {  	s22 =	simm.s32 $0x1BFF;
	s21 =	sshll.u32 s9, $0x1;
	s6 =	sadd.s32 s7, s19  }
0x9f: {  	s10 =	simm.s32 $0x0;
	s20 =	sshll.u32 s8, $0x1;
	s8 =	sadd.s32 s21, s6  }
0xa0: {  	[timem:s10], [sflag:s22] =	dma.local [hbm:s8], s20  }
0xa1: {  	_ =	swait.ge [sflag:s22], s20  }
0xa2: {  	s7 =	ssub.s32 $0x0, s20;
	[sflag:s22] =	ssyncset.done $0x0  }
0xa3: {  	[sflag:s22] =	ssyncadd.s32 s7;
	_ =	sdelay $0x1  }
0xa4: {  	s23 =	simm.s32 $0x1B8B  }
0xa5: {  	_ =	swait.ge [sflag:s23], $0x1  }
0xa6: {  	[sflag:s23] =	ssyncset.done $0x0  }
0xa7: {  	s25 =	simm.s32 $0x1B8E;
	s24 =	sld [smem:$0x3FFE];
	[sflag:s23] =	ssyncadd.s32 $0xFFFFFFFF  }
0xa8: {  	s26 =	simm.s32 $execute0_lowered;
	[smem:$0x3FD2] =	sst s25  }
0xa9: {  	s8 =	sshll.u32 s26, $0x1;
	_ =	strace $0x80000046;
	[dreg:$0x1] =	wrdreg $0xFFFFFFFF  }
0xaa: {  	s28 =	simm.s32 $_size_execute0_lowered;
	s6 =	sadd.s32 s6, s8;
	[dreg:$0x0] =	wrdreg $0x0  }
0xab: {  	s8 =	sshll.u32 s28, $0x1;
	[dreg:$0x2] =	wrdreg s6  }
0xac: {  	[dreg:$0x3] =	wrdreg s8  }
0xad: {  	[dreg:$0x4] =	wrdreg $0xC0  }
0xae: {  	_ =	task [dreg:s10], $0x5FFFF  }
0xaf: {  	[dreg:$0x1] =	wrdreg $0xFFFFFFFF  }
0xb0: {  	[dreg:$0x0] =	wrdreg $0x60  }
0xb1: {  	[dreg:$0x2] =	wrdreg s24  }
0xb2: {  	[dreg:$0x3] =	wrdreg s2  }
0xb3: {  	[dreg:$0x4] =	wrdreg s18  }
0xb4: {  	[dreg:$0x5] =	wrdreg s4  }
0xb5: {  	[dreg:$0x6] =	wrdreg s5  }
0xb6: {  	[dreg:$0x7] =	wrdreg $0x9  }
0xb7: {  	_ =	task.clear_ibuf [dreg:s10], $0x8FFFF;
	_ =	strace $0x90000046  }
0xb8: {  	s29 =	simm.s32 $0x9;
	_ =	strace $0x80000048  }
0xb9: {  	_ =	swait.ge [sflag:s29], $0x1  }
0xba: {  	[sflag:s29] =	ssyncadd.s32 $0xFFFFFFFF  }
0xbb: {  	_ =	strace $0x90000048  }
0xbc: {  	_ =	sfence  }
0xbd: {  	s30 =	sld [smem:$0x0];
	_ =	sdelay $0x2  }
0xbe: {  	s31 =	sshll.u32 s1, $0xD;
	s1 =	sshrl.u32 s1, $0x2  }
0xbf: {  	s3 =	sand.u32 $0x4000, s31;
	s1 =	sadd.s32 s1, s30  }
0xc0: {  	s0 =	sor.u32 s3, s0;
	s1 =	sshll.u32 s1, $0x11  }
0xc1: {  	s0 =	sor.u32 s1, s0  }
0xc2: {  	s0 =	sadd.s32 $0x8F2B, s0  }
0xc3: {  	[sflag:s0] =	ssyncadd.remote.s32 $0x1  }
0xc4: {  	_ =	sfence.sel $0xFFFF  }
0xc5: {  	[dreg:$0x0] =	wrdreg $0xFFFFFFFF;
	(pc) =	sbr.abs _section_cstart, $3  }
0xc6: {  	[dreg:$0x1] =	wrdreg $0xFFFFFFFF  }
0xc7: {  	_ =	task.clear_ibuf [dreg:s10], $0x2FFFF;
	_ =	strace $0x9FFFFFFF  }
0xc8: {  	(tm) =	ssettm $0x7FFFFFFF  }
0xc9: {  	_ =	shalt  }
tec
execute0_lowered:
.L_overlay_start_1:
0x0: {  	(tag) =	ssettag $0x1  }
0x1: {  	s8 =	rddreg [dreg:$0x0]  }
0x2: {  	s1 =	rddreg [dreg:$0x1]  }
0x3: {  	s2 =	rddreg [dreg:$0x2]  }
0x4: {  	s3 =	rddreg [dreg:$0x3]  }
0x5: {  	s4 =	rddreg [dreg:$0x4]  }
0x6: {  	s0 =	rddreg [dreg:$0x5];
	s6 =	simm.s32 $0x0  }
0x7: {  	s7 =	srdreg.scid;
	s5 =	stileid.u32;
	s14 =	simm.s32 $0x400  }
0x8: {  	s15 =	simm.s32 $0x1;
	s16 =	simm.s32 $0x18700;
	s17 =	simm.s32 $0x1AF00  }
0x9: {  	s18 =	simm.s32 $0x1FF00;
	s20 =	simm.s32 $0x19B00;
	s21 =	simm.s32 $0x0  }
0xa: {  	[smem:$0x7FF] =	sst s6;
	s9 =	sand.u32 $0x1, s7;
	s10 =	sshll.u32 s5, $0x1  }
0xb: {  	s7 =	sadd.s32 $0xA600, s8;
	s31 =	sshrl.u32 s5, $0x2;
	s8 =	sadd.s32 $0x600, s8  }
0xc: {  	_ =	strace $0x80000047;
	s19 =	sor.u32 s9, s10;
	s12 =	smul.u32 $0x28000, s31  }
0xd: {  	s9 =	ssub.s32 $0x2, s9;
	s10 =	smul.u32 $0xC3800, s31;
	s11 =	sshll.u32 s19, $0x7  }
0xe: {  	s13 =	sshrl.u32 s9, $0x1;
	v0 =	vmov s19;
	s19 =	simm.s32 $0x1FF80;
	s11 =	sand.u32 $0x380, s11  }
0xf: {  	s13 =	ssub.s32 s9, s13;
	s9 =	sor.u32 s11, s12;
	s10 =	sor.u32 s11, s10  }
0x10: {  	s12 =	smax.u32 s13, $0x1;
	s13 =	simm.s32 $0x80;
	s11 =	sadd.s32 $0x1040000, s9  }
.LBB2_1:
0x11: {  	s22 =	simm.s32 $0x0  }
.LBB2_2:
0x12: {  	s23 =	smul.u32 $0x30E000, s22;
	_ =	sdelay $0x1  }
0x13: {  	s23 =	sadd.s32 s10, s23  }
0x14: {  	s23 =	sshrl.u32 s23, $0x3  }
0x15: {  	s31 =	sshrl.u32 s22, $0x3;
	s23 =	sadd.s32 s1, s23  }
0x16: {  	[tilespmem:s6], [sflag:$0x1] =	stream.strided.gather [hbm4b:s23+s13], $0x18700, s14, s13, $0x38;
	v63 =	vld [tilespmem:$0x0]  }
0x17: {  	s24 =	sshll.u32 s22, $0x7;
	s23 =	smul.u32 $0x28000, s31  }
0x18: {  	s24 =	sand.u32 $0x380, s24  }
0x19: {  	_ =	swait.ge [sflag:s15], $0x18700;
	s25 =	sor.u32 s24, s23  }
0x1a: {  	[sflag:s15] =	ssyncset.done $0x0;
	s25 =	sshrl.u32 s25, $0x3  }
0x1b: {  	[sflag:s15] =	ssyncadd.s32 $0xFFFE7900;
	s25 =	sadd.s32 s7, s25  }
0x1c: {  	[tilespmem:s16], [sflag:$0x1] =	stream.strided.gather [hbm4b:s25+s13], $0x1400, s14, s13, $0x38;
	v63 =	vld [tilespmem:$0x0]  }
0x1d: {  	_ =	swait.ge [sflag:s15], $0x1400  }
0x1e: {  	s26 =	simm.s32 $0x18740;
	[sflag:s15] =	ssyncset.done $0x0  }
0x1f: {  	s28 =	simm.s32 $0x1AF40;
	s25 =	simm.s32 $0xFFFFFFF8;
	[sflag:s15] =	ssyncadd.s32 $0xFFFFEC00  }
.LBB2_3:
0x20: {  	v1 =	vld [tilespmem:s26+$0xFFFFFFC0];
	_ =	sdelay $0x7  }
0x21: {  	v1 =	vld.idx.msk [tilespmem:v1+s6+$0x0], $0xffff;
	_ =	sdelay $0x4  }
0x22: {  	[tilespmem:s28+$0xFFFFFFC0] =	vst v1  }
0x23: {  	v1 =	vld [tilespmem:s26+$0xFFFFFFD0];
	_ =	sdelay $0x7  }
0x24: {  	v1 =	vld.idx.msk [tilespmem:v1+s6+$0x0], $0xffff;
	_ =	sdelay $0x4  }
0x25: {  	[tilespmem:s28+$0xFFFFFFD0] =	vst v1  }
0x26: {  	v1 =	vld [tilespmem:s26+$0xFFFFFFE0];
	_ =	sdelay $0x7  }
0x27: {  	v1 =	vld.idx.msk [tilespmem:v1+s6+$0x0], $0xffff;
	_ =	sdelay $0x4  }
0x28: {  	[tilespmem:s28+$0xFFFFFFE0] =	vst v1  }
0x29: {  	v1 =	vld [tilespmem:s26+$0xFFFFFFF0];
	_ =	sdelay $0x7  }
0x2a: {  	v1 =	vld.idx.msk [tilespmem:v1+s6+$0x0], $0xffff;
	_ =	sdelay $0x4  }
0x2b: {  	[tilespmem:s28+$0xFFFFFFF0] =	vst v1  }
0x2c: {  	v1 =	vld [tilespmem:s26+$0x0];
	_ =	sdelay $0x7  }
0x2d: {  	v1 =	vld.idx.msk [tilespmem:v1+s6+$0x0], $0xffff;
	_ =	sdelay $0x4  }
0x2e: {  	[tilespmem:s28+$0x0] =	vst v1  }
0x2f: {  	v1 =	vld [tilespmem:s26+$0x10];
	_ =	sdelay $0x7  }
0x30: {  	v1 =	vld.idx.msk [tilespmem:v1+s6+$0x0], $0xffff;
	_ =	sdelay $0x4  }
0x31: {  	[tilespmem:s28+$0x10] =	vst v1  }
0x32: {  	v1 =	vld [tilespmem:s26+$0x20];
	_ =	sdelay $0x7  }
0x33: {  	v1 =	vld.idx.msk [tilespmem:v1+s6+$0x0], $0xffff;
	_ =	sdelay $0x4  }
0x34: {  	[tilespmem:s28+$0x20] =	vst v1  }
0x35: {  	v1 =	vld [tilespmem:s26+$0x30];
	_ =	sdelay $0x6  }
0x36: {  	s25 =	sadd.s32 $0x8, s25  }
0x37: {  	p0 =	slt.u32 s25, $0x138;
	v1 =	vld.idx.msk [tilespmem:v1+s6+$0x0], $0xffff  }
.Ltmp0:
0x38: {  	_ = 	snop;
	(pc) =	sbr.rel @p0 .LBB2_3-.Ltmp0, $2  }
0x39: {  	_ =	sdelay $0x2  }
0x3a: {  	s26 =	sadd.s32 $0x80, s26;
	[tilespmem:s28+$0x30] =	vst v1;
	s28 =	sadd.s32 $0x80, s28  }
0x3b: {  	s23 =	sadd.s32 s24, s23  }
0x3c: {  	s24 =	sadd.s32 $0xA000, s23  }
0x3d: {  	s24 =	sshrl.u32 s24, $0x3  }
0x3e: {  	s24 =	sadd.s32 s7, s24  }
0x3f: {  	[tilespmem:s16], [sflag:$0x1] =	stream.strided.gather [hbm4b:s24+s13], $0x1400, s14, s13, $0x38;
	v63 =	vld [tilespmem:$0x0]  }
0x40: {  	_ =	swait.ge [sflag:s15], $0x1400  }
0x41: {  	s25 =	simm.s32 $0x18740;
	[sflag:s15] =	ssyncset.done $0x0  }
0x42: {  	s26 =	simm.s32 $0x1C370;
	s24 =	simm.s32 $0xFFFFFFF8;
	[sflag:s15] =	ssyncadd.s32 $0xFFFFEC00  }
.LBB2_5:
0x43: {  	v1 =	vld [tilespmem:s25+$0xFFFFFFC0];
	_ =	sdelay $0x7  }
0x44: {  	v1 =	vld.idx.msk [tilespmem:v1+s6+$0x0], $0xffff;
	_ =	sdelay $0x4  }
0x45: {  	[tilespmem:s26+$0xFFFFFF90] =	vst v1  }
0x46: {  	v1 =	vld [tilespmem:s25+$0xFFFFFFD0];
	_ =	sdelay $0x7  }
0x47: {  	v1 =	vld.idx.msk [tilespmem:v1+s6+$0x0], $0xffff;
	_ =	sdelay $0x4  }
0x48: {  	[tilespmem:s26+$0xFFFFFFA0] =	vst v1  }
0x49: {  	v1 =	vld [tilespmem:s25+$0xFFFFFFE0];
	_ =	sdelay $0x7  }
0x4a: {  	v1 =	vld.idx.msk [tilespmem:v1+s6+$0x0], $0xffff;
	_ =	sdelay $0x4  }
0x4b: {  	[tilespmem:s26+$0xFFFFFFB0] =	vst v1  }
0x4c: {  	v1 =	vld [tilespmem:s25+$0xFFFFFFF0];
	_ =	sdelay $0x7  }
0x4d: {  	v1 =	vld.idx.msk [tilespmem:v1+s6+$0x0], $0xffff;
	_ =	sdelay $0x4  }
0x4e: {  	[tilespmem:s26+$0xFFFFFFC0] =	vst v1  }
0x4f: {  	v1 =	vld [tilespmem:s25+$0x0];
	_ =	sdelay $0x7  }
0x50: {  	v1 =	vld.idx.msk [tilespmem:v1+s6+$0x0], $0xffff;
	_ =	sdelay $0x4  }
0x51: {  	[tilespmem:s26+$0xFFFFFFD0] =	vst v1  }
0x52: {  	v1 =	vld [tilespmem:s25+$0x10];
	_ =	sdelay $0x7  }
0x53: {  	v1 =	vld.idx.msk [tilespmem:v1+s6+$0x0], $0xffff;
	_ =	sdelay $0x4  }
0x54: {  	[tilespmem:s26+$0xFFFFFFE0] =	vst v1  }
0x55: {  	v1 =	vld [tilespmem:s25+$0x20];
	_ =	sdelay $0x7  }
0x56: {  	v1 =	vld.idx.msk [tilespmem:v1+s6+$0x0], $0xffff;
	_ =	sdelay $0x4  }
0x57: {  	[tilespmem:s26+$0xFFFFFFF0] =	vst v1  }
0x58: {  	v1 =	vld [tilespmem:s25+$0x30];
	_ =	sdelay $0x6  }
0x59: {  	s24 =	sadd.s32 $0x8, s24  }
0x5a: {  	p0 =	slt.u32 s24, $0x138;
	v1 =	vld.idx.msk [tilespmem:v1+s6+$0x0], $0xffff  }
.Ltmp1:
0x5b: {  	_ = 	snop;
	(pc) =	sbr.rel @p0 .LBB2_5-.Ltmp1, $2  }
0x5c: {  	_ =	sdelay $0x2  }
0x5d: {  	s25 =	sadd.s32 $0x80, s25;
	[tilespmem:s26+$0x0] =	vst v1;
	s26 =	sadd.s32 $0x80, s26  }
0x5e: {  	s24 =	sadd.s32 $0x14000, s23  }
0x5f: {  	s24 =	sshrl.u32 s24, $0x3  }
0x60: {  	s24 =	sadd.s32 s7, s24  }
0x61: {  	[tilespmem:s16], [sflag:$0x1] =	stream.strided.gather [hbm4b:s24+s13], $0x1400, s14, s13, $0x38;
	v63 =	vld [tilespmem:$0x0]  }
0x62: {  	_ =	swait.ge [sflag:s15], $0x1400  }
0x63: {  	s25 =	simm.s32 $0x18740;
	[sflag:s15] =	ssyncset.done $0x0  }
0x64: {  	s26 =	simm.s32 $0x1D770;
	s24 =	simm.s32 $0xFFFFFFF8;
	[sflag:s15] =	ssyncadd.s32 $0xFFFFEC00  }
.LBB2_7:
0x65: {  	v1 =	vld [tilespmem:s25+$0xFFFFFFC0];
	_ =	sdelay $0x7  }
0x66: {  	v1 =	vld.idx.msk [tilespmem:v1+s6+$0x0], $0xffff;
	_ =	sdelay $0x4  }
0x67: {  	[tilespmem:s26+$0xFFFFFF90] =	vst v1  }
0x68: {  	v1 =	vld [tilespmem:s25+$0xFFFFFFD0];
	_ =	sdelay $0x7  }
0x69: {  	v1 =	vld.idx.msk [tilespmem:v1+s6+$0x0], $0xffff;
	_ =	sdelay $0x4  }
0x6a: {  	[tilespmem:s26+$0xFFFFFFA0] =	vst v1  }
0x6b: {  	v1 =	vld [tilespmem:s25+$0xFFFFFFE0];
	_ =	sdelay $0x7  }
0x6c: {  	v1 =	vld.idx.msk [tilespmem:v1+s6+$0x0], $0xffff;
	_ =	sdelay $0x4  }
0x6d: {  	[tilespmem:s26+$0xFFFFFFB0] =	vst v1  }
0x6e: {  	v1 =	vld [tilespmem:s25+$0xFFFFFFF0];
	_ =	sdelay $0x7  }
0x6f: {  	v1 =	vld.idx.msk [tilespmem:v1+s6+$0x0], $0xffff;
	_ =	sdelay $0x4  }
0x70: {  	[tilespmem:s26+$0xFFFFFFC0] =	vst v1  }
0x71: {  	v1 =	vld [tilespmem:s25+$0x0];
	_ =	sdelay $0x7  }
0x72: {  	v1 =	vld.idx.msk [tilespmem:v1+s6+$0x0], $0xffff;
	_ =	sdelay $0x4  }
0x73: {  	[tilespmem:s26+$0xFFFFFFD0] =	vst v1  }
0x74: {  	v1 =	vld [tilespmem:s25+$0x10];
	_ =	sdelay $0x7  }
0x75: {  	v1 =	vld.idx.msk [tilespmem:v1+s6+$0x0], $0xffff;
	_ =	sdelay $0x4  }
0x76: {  	[tilespmem:s26+$0xFFFFFFE0] =	vst v1  }
0x77: {  	v1 =	vld [tilespmem:s25+$0x20];
	_ =	sdelay $0x7  }
0x78: {  	v1 =	vld.idx.msk [tilespmem:v1+s6+$0x0], $0xffff;
	_ =	sdelay $0x4  }
0x79: {  	[tilespmem:s26+$0xFFFFFFF0] =	vst v1  }
0x7a: {  	v1 =	vld [tilespmem:s25+$0x30];
	_ =	sdelay $0x6  }
0x7b: {  	s24 =	sadd.s32 $0x8, s24  }
0x7c: {  	p0 =	slt.u32 s24, $0x138;
	v1 =	vld.idx.msk [tilespmem:v1+s6+$0x0], $0xffff  }
.Ltmp2:
0x7d: {  	_ = 	snop;
	(pc) =	sbr.rel @p0 .LBB2_7-.Ltmp2, $2  }
0x7e: {  	_ =	sdelay $0x2  }
0x7f: {  	s25 =	sadd.s32 $0x80, s25;
	[tilespmem:s26+$0x0] =	vst v1;
	s26 =	sadd.s32 $0x80, s26  }
0x80: {  	s23 =	sadd.s32 $0x1E000, s23  }
0x81: {  	s23 =	sshrl.u32 s23, $0x3  }
0x82: {  	s23 =	sadd.s32 s7, s23  }
0x83: {  	[tilespmem:s16], [sflag:$0x1] =	stream.strided.gather [hbm4b:s23+s13], $0x1400, s14, s13, $0x38;
	v63 =	vld [tilespmem:$0x0]  }
0x84: {  	_ =	swait.ge [sflag:s15], $0x1400  }
0x85: {  	s24 =	simm.s32 $0x18740;
	[sflag:s15] =	ssyncset.done $0x0  }
0x86: {  	s25 =	simm.s32 $0x1EB70;
	s23 =	simm.s32 $0xFFFFFFF8;
	[sflag:s15] =	ssyncadd.s32 $0xFFFFEC00  }
.LBB2_9:
0x87: {  	v1 =	vld [tilespmem:s24+$0xFFFFFFC0];
	_ =	sdelay $0x7  }
0x88: {  	v1 =	vld.idx.msk [tilespmem:v1+s6+$0x0], $0xffff;
	_ =	sdelay $0x4  }
0x89: {  	[tilespmem:s25+$0xFFFFFF90] =	vst v1  }
0x8a: {  	v1 =	vld [tilespmem:s24+$0xFFFFFFD0];
	_ =	sdelay $0x7  }
0x8b: {  	v1 =	vld.idx.msk [tilespmem:v1+s6+$0x0], $0xffff;
	_ =	sdelay $0x4  }
0x8c: {  	[tilespmem:s25+$0xFFFFFFA0] =	vst v1  }
0x8d: {  	v1 =	vld [tilespmem:s24+$0xFFFFFFE0];
	_ =	sdelay $0x7  }
0x8e: {  	v1 =	vld.idx.msk [tilespmem:v1+s6+$0x0], $0xffff;
	_ =	sdelay $0x4  }
0x8f: {  	[tilespmem:s25+$0xFFFFFFB0] =	vst v1  }
0x90: {  	v1 =	vld [tilespmem:s24+$0xFFFFFFF0];
	_ =	sdelay $0x7  }
0x91: {  	v1 =	vld.idx.msk [tilespmem:v1+s6+$0x0], $0xffff;
	_ =	sdelay $0x4  }
0x92: {  	[tilespmem:s25+$0xFFFFFFC0] =	vst v1  }
0x93: {  	v1 =	vld [tilespmem:s24+$0x0];
	_ =	sdelay $0x7  }
0x94: {  	v1 =	vld.idx.msk [tilespmem:v1+s6+$0x0], $0xffff;
	_ =	sdelay $0x4  }
0x95: {  	[tilespmem:s25+$0xFFFFFFD0] =	vst v1  }
0x96: {  	v1 =	vld [tilespmem:s24+$0x10];
	_ =	sdelay $0x7  }
0x97: {  	v1 =	vld.idx.msk [tilespmem:v1+s6+$0x0], $0xffff;
	_ =	sdelay $0x4  }
0x98: {  	[tilespmem:s25+$0xFFFFFFE0] =	vst v1  }
0x99: {  	v1 =	vld [tilespmem:s24+$0x20];
	_ =	sdelay $0x7  }
0x9a: {  	v1 =	vld.idx.msk [tilespmem:v1+s6+$0x0], $0xffff;
	_ =	sdelay $0x4  }
0x9b: {  	[tilespmem:s25+$0xFFFFFFF0] =	vst v1  }
0x9c: {  	v1 =	vld [tilespmem:s24+$0x30];
	_ =	sdelay $0x6  }
0x9d: {  	s23 =	sadd.s32 $0x8, s23  }
0x9e: {  	p0 =	slt.u32 s23, $0x138;
	v1 =	vld.idx.msk [tilespmem:v1+s6+$0x0], $0xffff  }
.Ltmp3:
0x9f: {  	_ = 	snop;
	(pc) =	sbr.rel @p0 .LBB2_9-.Ltmp3, $2  }
0xa0: {  	_ =	sdelay $0x2  }
0xa1: {  	s24 =	sadd.s32 $0x80, s24;
	[tilespmem:s25+$0x0] =	vst v1;
	s25 =	sadd.s32 $0x80, s25  }
0xa2: {  	s23 =	smul.u32 $0xA0000, s22;
	_ =	sdelay $0x1  }
0xa3: {  	s22 =	sadd.s32 $0x1, s22;
	s23 =	sadd.s32 s9, s23  }
0xa4: {  	p0 =	sne.s32 s22, $0x1A;
	s23 =	sshrl.u32 s23, $0x3  }
.Ltmp4:
0xa5: {  	s23 =	sadd.s32 s4, s23;
	(pc) =	sbr.rel @p0 .LBB2_2-.Ltmp4, $4  }
0xa6: {  	[hbm4b:s23+s13] =	stream.strided.scatter [tilespmem:s17], [sflag:$0x1], $0x5000, s14, s13, $0x38;
	v63 =	vld [tilespmem:$0x0]  }
0xa7: {  	_ =	swait.ge [sflag:s15], $0x5000  }
0xa8: {  	[sflag:s15] =	ssyncset.done $0x0  }
0xa9: {  	[sflag:s15] =	ssyncadd.s32 $0xFFFFB000  }
0xaa: {  	s22 =	simm.s32 $0x0  }
.LBB2_12:
0xab: {  	s24 =	sshrl.u32 s22, $0x3;
	s23 =	sshll.u32 s22, $0x7  }
0xac: {  	s23 =	sand.u32 $0x380, s23;
	s25 =	sshll.u32 s24, $0xA  }
0xad: {  	s25 =	sor.u32 s23, s25  }
0xae: {  	s25 =	sshrl.u32 s25, $0x3  }
0xaf: {  	s26 =	sadd.s32 s2, s25  }
0xb0: {  	[tilespmem:s18], [sflag:$0x1] =	stream.linear.gather [hbm4b:s26+s6], $0x80, $0x38;
	v63 =	vld [tilespmem:$0x0]  }
0xb1: {  	_ =	swait.ge [sflag:s15], $0x80  }
0xb2: {  	[sflag:s15] =	ssyncset.done $0x0  }
0xb3: {  	s24 =	smul.u32 $0x28000, s24;
	s25 =	sadd.s32 s3, s25;
	[sflag:s15] =	ssyncadd.s32 $0xFFFFFF80  }
0xb4: {  	[tilespmem:s19], [sflag:$0x1] =	stream.linear.gather [hbm4b:s25+s6], $0x80, $0x38;
	v63 =	vld [tilespmem:$0x0]  }
0xb5: {  	_ =	swait.ge [sflag:s15], $0x80  }
0xb6: {  	s30 =	sor.u32 s23, s24;
	[sflag:s15] =	ssyncset.done $0x0  }
0xb7: {  	s25 =	sshrl.u32 s30, $0x3;
	[sflag:s15] =	ssyncadd.s32 $0xFFFFFF80  }
0xb8: {  	s25 =	sadd.s32 s8, s25;
	v1 =	vld.idx.msk [tilespmem:v0+s18+$0x0], $0xffff  }
0xb9: {  	v2 =	vld.idx.msk [tilespmem:v0+s19+$0x0], $0xffff;
	[tilespmem:s20], [sflag:$0x1] =	stream.strided.gather [hbm4b:s25+s13], $0x1400, s14, s13, $0x38  }
0xba: {  	_ =	swait.ge [sflag:s15], $0x1400  }
0xbb: {  	[sflag:s15] =	ssyncset.done $0x0  }
0xbc: {  	s31 =	simm.s32 $0x19B40;
	[sflag:s15] =	ssyncadd.s32 $0xFFFFEC00  }
0xbd: {  	v3 =	vld [tilespmem:s31+$0xFFFFFFC0];
	_ =	sdelay $0x4  }
0xbe: {  	v3 =	vmul.f32 v3, v1;
	_ =	sdelay $0x1  }
0xbf: {  	v3 =	vadd.f32 v3, v2  }
0xc0: {  	s25 =	simm.s32 $0x1AF40  }
0xc1: {  	[tilespmem:s25+$0xFFFFFFC0] =	vst v3  }
0xc2: {  	v3 =	vld [tilespmem:s31+$0xFFFFFFD0];
	_ =	sdelay $0x4  }
0xc3: {  	v3 =	vmul.f32 v3, v1;
	_ =	sdelay $0x1  }
0xc4: {  	v3 =	vadd.f32 v3, v2;
	_ =	sdelay $0x1  }
0xc5: {  	[tilespmem:s25+$0xFFFFFFD0] =	vst v3  }
0xc6: {  	v3 =	vld [tilespmem:s31+$0xFFFFFFE0];
	_ =	sdelay $0x4  }
0xc7: {  	v3 =	vmul.f32 v3, v1;
	_ =	sdelay $0x1  }
0xc8: {  	v3 =	vadd.f32 v3, v2;
	_ =	sdelay $0x1  }
0xc9: {  	[tilespmem:s25+$0xFFFFFFE0] =	vst v3  }
0xca: {  	v3 =	vld [tilespmem:s31+$0xFFFFFFF0];
	_ =	sdelay $0x4  }
0xcb: {  	v3 =	vmul.f32 v3, v1;
	_ =	sdelay $0x1  }
0xcc: {  	v3 =	vadd.f32 v3, v2;
	_ =	sdelay $0x1  }
0xcd: {  	[tilespmem:s25+$0xFFFFFFF0] =	vst v3  }
0xce: {  	v3 =	vld [tilespmem:s31+$0x0];
	_ =	sdelay $0x4  }
0xcf: {  	v3 =	vmul.f32 v3, v1;
	_ =	sdelay $0x1  }
0xd0: {  	v3 =	vadd.f32 v3, v2;
	_ =	sdelay $0x1  }
0xd1: {  	[tilespmem:s25+$0x0] =	vst v3  }
0xd2: {  	v3 =	vld [tilespmem:s31+$0x10];
	_ =	sdelay $0x4  }
0xd3: {  	v3 =	vmul.f32 v3, v1;
	_ =	sdelay $0x1  }
0xd4: {  	v3 =	vadd.f32 v3, v2;
	_ =	sdelay $0x1  }
0xd5: {  	[tilespmem:s25+$0x10] =	vst v3  }
0xd6: {  	v3 =	vld [tilespmem:s31+$0x20];
	_ =	sdelay $0x4  }
0xd7: {  	v3 =	vmul.f32 v3, v1;
	_ =	sdelay $0x1  }
0xd8: {  	v3 =	vadd.f32 v3, v2;
	_ =	sdelay $0x1  }
0xd9: {  	[tilespmem:s25+$0x20] =	vst v3  }
0xda: {  	v3 =	vld [tilespmem:s31+$0x30];
	_ =	sdelay $0x4  }
0xdb: {  	v3 =	vmul.f32 v3, v1;
	_ =	sdelay $0x1  }
0xdc: {  	v3 =	vadd.f32 v3, v2;
	_ =	sdelay $0x1  }
0xdd: {  	s28 =	simm.s32 $0x19BC0;
	s26 =	simm.s32 $0x0;
	[tilespmem:s25+$0x30] =	vst v3  }
.LBB2_13:
0xde: {  	v3 =	vld [tilespmem:s28+$0xFFFFFFC0];
	s26 =	sadd.s32 $0x8, s26  }
0xdf: {  	p0 =	slt.u32 s26, $0x138;
	_ =	sdelay $0x3  }
0xe0: {  	v3 =	vmul.f32 v3, v1;
	_ =	sdelay $0x1  }
0xe1: {  	v3 =	vadd.f32 v3, v2  }
0xe2: {  	s25 =	sadd.s32 $0x80, s25  }
0xe3: {  	[tilespmem:s25+$0xFFFFFFC0] =	vst v3  }
0xe4: {  	v3 =	vld [tilespmem:s28+$0xFFFFFFD0];
	_ =	sdelay $0x4  }
0xe5: {  	v3 =	vmul.f32 v3, v1;
	_ =	sdelay $0x1  }
0xe6: {  	v3 =	vadd.f32 v3, v2;
	_ =	sdelay $0x1  }
0xe7: {  	[tilespmem:s25+$0xFFFFFFD0] =	vst v3  }
0xe8: {  	v3 =	vld [tilespmem:s28+$0xFFFFFFE0];
	_ =	sdelay $0x4  }
0xe9: {  	v3 =	vmul.f32 v3, v1;
	_ =	sdelay $0x1  }
0xea: {  	v3 =	vadd.f32 v3, v2;
	_ =	sdelay $0x1  }
0xeb: {  	[tilespmem:s25+$0xFFFFFFE0] =	vst v3  }
0xec: {  	v3 =	vld [tilespmem:s28+$0xFFFFFFF0];
	_ =	sdelay $0x4  }
0xed: {  	v3 =	vmul.f32 v3, v1;
	_ =	sdelay $0x1  }
0xee: {  	v3 =	vadd.f32 v3, v2;
	_ =	sdelay $0x1  }
0xef: {  	[tilespmem:s25+$0xFFFFFFF0] =	vst v3  }
0xf0: {  	v3 =	vld [tilespmem:s28+$0x0];
	_ =	sdelay $0x4  }
0xf1: {  	v3 =	vmul.f32 v3, v1;
	_ =	sdelay $0x1  }
0xf2: {  	v3 =	vadd.f32 v3, v2;
	_ =	sdelay $0x1  }
0xf3: {  	[tilespmem:s25+$0x0] =	vst v3  }
0xf4: {  	v3 =	vld [tilespmem:s28+$0x10];
	_ =	sdelay $0x4  }
0xf5: {  	v3 =	vmul.f32 v3, v1;
	_ =	sdelay $0x1  }
0xf6: {  	v3 =	vadd.f32 v3, v2;
	_ =	sdelay $0x1  }
0xf7: {  	[tilespmem:s25+$0x10] =	vst v3  }
0xf8: {  	v3 =	vld [tilespmem:s28+$0x20];
	_ =	sdelay $0x4  }
0xf9: {  	v3 =	vmul.f32 v3, v1;
	_ =	sdelay $0x1  }
0xfa: {  	v3 =	vadd.f32 v3, v2;
	_ =	sdelay $0x1  }
0xfb: {  	[tilespmem:s25+$0x20] =	vst v3  }
0xfc: {  	v3 =	vld [tilespmem:s28+$0x30];
	_ =	sdelay $0x4  }
.Ltmp5:
0xfd: {  	v3 =	vmul.f32 v3, v1;
	(pc) =	sbr.rel @p0 .LBB2_13-.Ltmp5, $3  }
0xfe: {  	_ = 	snop  }
0xff: {  	v3 =	vadd.f32 v3, v2;
	_ =	sdelay $0x1  }
0x100: {  	s28 =	sadd.s32 $0x80, s28;
	[tilespmem:s25+$0x30] =	vst v3  }
0x101: {  	s23 =	sadd.s32 s23, s24  }
0x102: {  	s24 =	sadd.s32 $0xA000, s23  }
0x103: {  	s24 =	sshrl.u32 s24, $0x3  }
0x104: {  	s24 =	sadd.s32 s8, s24  }
0x105: {  	[tilespmem:s20], [sflag:$0x1] =	stream.strided.gather [hbm4b:s24+s13], $0x1400, s14, s13, $0x38;
	v63 =	vld [tilespmem:$0x0]  }
0x106: {  	_ =	swait.ge [sflag:s15], $0x1400  }
0x107: {  	[sflag:s15] =	ssyncset.done $0x0  }
0x108: {  	s25 =	simm.s32 $0x19B40;
	[sflag:s15] =	ssyncadd.s32 $0xFFFFEC00  }
0x109: {  	v3 =	vld [tilespmem:s25+$0xFFFFFFC0];
	_ =	sdelay $0x4  }
0x10a: {  	v3 =	vmul.f32 v3, v1;
	_ =	sdelay $0x1  }
0x10b: {  	v3 =	vadd.f32 v3, v2  }
0x10c: {  	s24 =	simm.s32 $0x1C370  }
0x10d: {  	[tilespmem:s24+$0xFFFFFF90] =	vst v3  }
0x10e: {  	v3 =	vld [tilespmem:s25+$0xFFFFFFD0];
	_ =	sdelay $0x4  }
0x10f: {  	v3 =	vmul.f32 v3, v1;
	_ =	sdelay $0x1  }
0x110: {  	v3 =	vadd.f32 v3, v2;
	_ =	sdelay $0x1  }
0x111: {  	[tilespmem:s24+$0xFFFFFFA0] =	vst v3  }
0x112: {  	v3 =	vld [tilespmem:s25+$0xFFFFFFE0];
	_ =	sdelay $0x4  }
0x113: {  	v3 =	vmul.f32 v3, v1;
	_ =	sdelay $0x1  }
0x114: {  	v3 =	vadd.f32 v3, v2;
	_ =	sdelay $0x1  }
0x115: {  	[tilespmem:s24+$0xFFFFFFB0] =	vst v3  }
0x116: {  	v3 =	vld [tilespmem:s25+$0xFFFFFFF0];
	_ =	sdelay $0x4  }
0x117: {  	v3 =	vmul.f32 v3, v1;
	_ =	sdelay $0x1  }
0x118: {  	v3 =	vadd.f32 v3, v2;
	_ =	sdelay $0x1  }
0x119: {  	[tilespmem:s24+$0xFFFFFFC0] =	vst v3  }
0x11a: {  	v3 =	vld [tilespmem:s25+$0x0];
	_ =	sdelay $0x4  }
0x11b: {  	v3 =	vmul.f32 v3, v1;
	_ =	sdelay $0x1  }
0x11c: {  	v3 =	vadd.f32 v3, v2;
	_ =	sdelay $0x1  }
0x11d: {  	[tilespmem:s24+$0xFFFFFFD0] =	vst v3  }
0x11e: {  	v3 =	vld [tilespmem:s25+$0x10];
	_ =	sdelay $0x4  }
0x11f: {  	v3 =	vmul.f32 v3, v1;
	_ =	sdelay $0x1  }
0x120: {  	v3 =	vadd.f32 v3, v2;
	_ =	sdelay $0x1  }
0x121: {  	[tilespmem:s24+$0xFFFFFFE0] =	vst v3  }
0x122: {  	v3 =	vld [tilespmem:s25+$0x20];
	_ =	sdelay $0x4  }
0x123: {  	v3 =	vmul.f32 v3, v1;
	_ =	sdelay $0x1  }
0x124: {  	v3 =	vadd.f32 v3, v2;
	_ =	sdelay $0x1  }
0x125: {  	[tilespmem:s24+$0xFFFFFFF0] =	vst v3  }
0x126: {  	v3 =	vld [tilespmem:s25+$0x30];
	_ =	sdelay $0x4  }
0x127: {  	v3 =	vmul.f32 v3, v1;
	_ =	sdelay $0x1  }
0x128: {  	v3 =	vadd.f32 v3, v2;
	_ =	sdelay $0x1  }
0x129: {  	s26 =	simm.s32 $0x19BC0;
	s25 =	simm.s32 $0x0;
	[tilespmem:s24+$0x0] =	vst v3  }
.LBB2_15:
0x12a: {  	v3 =	vld [tilespmem:s26+$0xFFFFFFC0];
	s25 =	sadd.s32 $0x8, s25  }
0x12b: {  	p0 =	slt.u32 s25, $0x138;
	_ =	sdelay $0x3  }
0x12c: {  	v3 =	vmul.f32 v3, v1;
	_ =	sdelay $0x1  }
0x12d: {  	v3 =	vadd.f32 v3, v2  }
0x12e: {  	s24 =	sadd.s32 $0x80, s24  }
0x12f: {  	[tilespmem:s24+$0xFFFFFF90] =	vst v3  }
0x130: {  	v3 =	vld [tilespmem:s26+$0xFFFFFFD0];
	_ =	sdelay $0x4  }
0x131: {  	v3 =	vmul.f32 v3, v1;
	_ =	sdelay $0x1  }
0x132: {  	v3 =	vadd.f32 v3, v2;
	_ =	sdelay $0x1  }
0x133: {  	[tilespmem:s24+$0xFFFFFFA0] =	vst v3  }
0x134: {  	v3 =	vld [tilespmem:s26+$0xFFFFFFE0];
	_ =	sdelay $0x4  }
0x135: {  	v3 =	vmul.f32 v3, v1;
	_ =	sdelay $0x1  }
0x136: {  	v3 =	vadd.f32 v3, v2;
	_ =	sdelay $0x1  }
0x137: {  	[tilespmem:s24+$0xFFFFFFB0] =	vst v3  }
0x138: {  	v3 =	vld [tilespmem:s26+$0xFFFFFFF0];
	_ =	sdelay $0x4  }
0x139: {  	v3 =	vmul.f32 v3, v1;
	_ =	sdelay $0x1  }
0x13a: {  	v3 =	vadd.f32 v3, v2;
	_ =	sdelay $0x1  }
0x13b: {  	[tilespmem:s24+$0xFFFFFFC0] =	vst v3  }
0x13c: {  	v3 =	vld [tilespmem:s26+$0x0];
	_ =	sdelay $0x4  }
0x13d: {  	v3 =	vmul.f32 v3, v1;
	_ =	sdelay $0x1  }
0x13e: {  	v3 =	vadd.f32 v3, v2;
	_ =	sdelay $0x1  }
0x13f: {  	[tilespmem:s24+$0xFFFFFFD0] =	vst v3  }
0x140: {  	v3 =	vld [tilespmem:s26+$0x10];
	_ =	sdelay $0x4  }
0x141: {  	v3 =	vmul.f32 v3, v1;
	_ =	sdelay $0x1  }
0x142: {  	v3 =	vadd.f32 v3, v2;
	_ =	sdelay $0x1  }
0x143: {  	[tilespmem:s24+$0xFFFFFFE0] =	vst v3  }
0x144: {  	v3 =	vld [tilespmem:s26+$0x20];
	_ =	sdelay $0x4  }
0x145: {  	v3 =	vmul.f32 v3, v1;
	_ =	sdelay $0x1  }
0x146: {  	v3 =	vadd.f32 v3, v2;
	_ =	sdelay $0x1  }
0x147: {  	[tilespmem:s24+$0xFFFFFFF0] =	vst v3  }
0x148: {  	v3 =	vld [tilespmem:s26+$0x30];
	_ =	sdelay $0x4  }
.Ltmp6:
0x149: {  	v3 =	vmul.f32 v3, v1;
	(pc) =	sbr.rel @p0 .LBB2_15-.Ltmp6, $3  }
0x14a: {  	_ = 	snop  }
0x14b: {  	v3 =	vadd.f32 v3, v2;
	_ =	sdelay $0x1  }
0x14c: {  	s26 =	sadd.s32 $0x80, s26;
	[tilespmem:s24+$0x0] =	vst v3  }
0x14d: {  	s24 =	sadd.s32 $0x14000, s23  }
0x14e: {  	s24 =	sshrl.u32 s24, $0x3  }
0x14f: {  	s24 =	sadd.s32 s8, s24  }
0x150: {  	[tilespmem:s20], [sflag:$0x1] =	stream.strided.gather [hbm4b:s24+s13], $0x1400, s14, s13, $0x38;
	v63 =	vld [tilespmem:$0x0]  }
0x151: {  	_ =	swait.ge [sflag:s15], $0x1400  }
0x152: {  	[sflag:s15] =	ssyncset.done $0x0  }
0x153: {  	s25 =	simm.s32 $0x19B40;
	[sflag:s15] =	ssyncadd.s32 $0xFFFFEC00  }
0x154: {  	v3 =	vld [tilespmem:s25+$0xFFFFFFC0];
	_ =	sdelay $0x4  }
0x155: {  	v3 =	vmul.f32 v3, v1;
	_ =	sdelay $0x1  }
0x156: {  	v3 =	vadd.f32 v3, v2  }
0x157: {  	s24 =	simm.s32 $0x1D770  }
0x158: {  	[tilespmem:s24+$0xFFFFFF90] =	vst v3  }
0x159: {  	v3 =	vld [tilespmem:s25+$0xFFFFFFD0];
	_ =	sdelay $0x4  }
0x15a: {  	v3 =	vmul.f32 v3, v1;
	_ =	sdelay $0x1  }
0x15b: {  	v3 =	vadd.f32 v3, v2;
	_ =	sdelay $0x1  }
0x15c: {  	[tilespmem:s24+$0xFFFFFFA0] =	vst v3  }
0x15d: {  	v3 =	vld [tilespmem:s25+$0xFFFFFFE0];
	_ =	sdelay $0x4  }
0x15e: {  	v3 =	vmul.f32 v3, v1;
	_ =	sdelay $0x1  }
0x15f: {  	v3 =	vadd.f32 v3, v2;
	_ =	sdelay $0x1  }
0x160: {  	[tilespmem:s24+$0xFFFFFFB0] =	vst v3  }
0x161: {  	v3 =	vld [tilespmem:s25+$0xFFFFFFF0];
	_ =	sdelay $0x4  }
0x162: {  	v3 =	vmul.f32 v3, v1;
	_ =	sdelay $0x1  }
0x163: {  	v3 =	vadd.f32 v3, v2;
	_ =	sdelay $0x1  }
0x164: {  	[tilespmem:s24+$0xFFFFFFC0] =	vst v3  }
0x165: {  	v3 =	vld [tilespmem:s25+$0x0];
	_ =	sdelay $0x4  }
0x166: {  	v3 =	vmul.f32 v3, v1;
	_ =	sdelay $0x1  }
0x167: {  	v3 =	vadd.f32 v3, v2;
	_ =	sdelay $0x1  }
0x168: {  	[tilespmem:s24+$0xFFFFFFD0] =	vst v3  }
0x169: {  	v3 =	vld [tilespmem:s25+$0x10];
	_ =	sdelay $0x4  }
0x16a: {  	v3 =	vmul.f32 v3, v1;
	_ =	sdelay $0x1  }
0x16b: {  	v3 =	vadd.f32 v3, v2;
	_ =	sdelay $0x1  }
0x16c: {  	[tilespmem:s24+$0xFFFFFFE0] =	vst v3  }
0x16d: {  	v3 =	vld [tilespmem:s25+$0x20];
	_ =	sdelay $0x4  }
0x16e: {  	v3 =	vmul.f32 v3, v1;
	_ =	sdelay $0x1  }
0x16f: {  	v3 =	vadd.f32 v3, v2;
	_ =	sdelay $0x1  }
0x170: {  	[tilespmem:s24+$0xFFFFFFF0] =	vst v3  }
0x171: {  	v3 =	vld [tilespmem:s25+$0x30];
	_ =	sdelay $0x4  }
0x172: {  	v3 =	vmul.f32 v3, v1;
	_ =	sdelay $0x1  }
0x173: {  	v3 =	vadd.f32 v3, v2;
	_ =	sdelay $0x1  }
0x174: {  	s26 =	simm.s32 $0x19BC0;
	s25 =	simm.s32 $0x0;
	[tilespmem:s24+$0x0] =	vst v3  }
.LBB2_17:
0x175: {  	v3 =	vld [tilespmem:s26+$0xFFFFFFC0];
	s25 =	sadd.s32 $0x8, s25  }
0x176: {  	p0 =	slt.u32 s25, $0x138;
	_ =	sdelay $0x3  }
0x177: {  	v3 =	vmul.f32 v3, v1;
	_ =	sdelay $0x1  }
0x178: {  	v3 =	vadd.f32 v3, v2  }
0x179: {  	s24 =	sadd.s32 $0x80, s24  }
0x17a: {  	[tilespmem:s24+$0xFFFFFF90] =	vst v3  }
0x17b: {  	v3 =	vld [tilespmem:s26+$0xFFFFFFD0];
	_ =	sdelay $0x4  }
0x17c: {  	v3 =	vmul.f32 v3, v1;
	_ =	sdelay $0x1  }
0x17d: {  	v3 =	vadd.f32 v3, v2;
	_ =	sdelay $0x1  }
0x17e: {  	[tilespmem:s24+$0xFFFFFFA0] =	vst v3  }
0x17f: {  	v3 =	vld [tilespmem:s26+$0xFFFFFFE0];
	_ =	sdelay $0x4  }
0x180: {  	v3 =	vmul.f32 v3, v1;
	_ =	sdelay $0x1  }
0x181: {  	v3 =	vadd.f32 v3, v2;
	_ =	sdelay $0x1  }
0x182: {  	[tilespmem:s24+$0xFFFFFFB0] =	vst v3  }
0x183: {  	v3 =	vld [tilespmem:s26+$0xFFFFFFF0];
	_ =	sdelay $0x4  }
0x184: {  	v3 =	vmul.f32 v3, v1;
	_ =	sdelay $0x1  }
0x185: {  	v3 =	vadd.f32 v3, v2;
	_ =	sdelay $0x1  }
0x186: {  	[tilespmem:s24+$0xFFFFFFC0] =	vst v3  }
0x187: {  	v3 =	vld [tilespmem:s26+$0x0];
	_ =	sdelay $0x4  }
0x188: {  	v3 =	vmul.f32 v3, v1;
	_ =	sdelay $0x1  }
0x189: {  	v3 =	vadd.f32 v3, v2;
	_ =	sdelay $0x1  }
0x18a: {  	[tilespmem:s24+$0xFFFFFFD0] =	vst v3  }
0x18b: {  	v3 =	vld [tilespmem:s26+$0x10];
	_ =	sdelay $0x4  }
0x18c: {  	v3 =	vmul.f32 v3, v1;
	_ =	sdelay $0x1  }
0x18d: {  	v3 =	vadd.f32 v3, v2;
	_ =	sdelay $0x1  }
0x18e: {  	[tilespmem:s24+$0xFFFFFFE0] =	vst v3  }
0x18f: {  	v3 =	vld [tilespmem:s26+$0x20];
	_ =	sdelay $0x4  }
0x190: {  	v3 =	vmul.f32 v3, v1;
	_ =	sdelay $0x1  }
0x191: {  	v3 =	vadd.f32 v3, v2;
	_ =	sdelay $0x1  }
0x192: {  	[tilespmem:s24+$0xFFFFFFF0] =	vst v3  }
0x193: {  	v3 =	vld [tilespmem:s26+$0x30];
	_ =	sdelay $0x4  }
.Ltmp7:
0x194: {  	v3 =	vmul.f32 v3, v1;
	(pc) =	sbr.rel @p0 .LBB2_17-.Ltmp7, $3  }
0x195: {  	_ = 	snop  }
0x196: {  	v3 =	vadd.f32 v3, v2;
	_ =	sdelay $0x1  }
0x197: {  	s26 =	sadd.s32 $0x80, s26;
	[tilespmem:s24+$0x0] =	vst v3  }
0x198: {  	s23 =	sadd.s32 $0x1E000, s23  }
0x199: {  	s23 =	sshrl.u32 s23, $0x3  }
0x19a: {  	s23 =	sadd.s32 s8, s23  }
0x19b: {  	[tilespmem:s20], [sflag:$0x1] =	stream.strided.gather [hbm4b:s23+s13], $0x1400, s14, s13, $0x38;
	v63 =	vld [tilespmem:$0x0]  }
0x19c: {  	_ =	swait.ge [sflag:s15], $0x1400  }
0x19d: {  	[sflag:s15] =	ssyncset.done $0x0  }
0x19e: {  	s24 =	simm.s32 $0x19B40;
	[sflag:s15] =	ssyncadd.s32 $0xFFFFEC00  }
0x19f: {  	v3 =	vld [tilespmem:s24+$0xFFFFFFC0];
	_ =	sdelay $0x4  }
0x1a0: {  	v3 =	vmul.f32 v3, v1;
	_ =	sdelay $0x1  }
0x1a1: {  	v3 =	vadd.f32 v3, v2  }
0x1a2: {  	s23 =	simm.s32 $0x1EB70  }
0x1a3: {  	[tilespmem:s23+$0xFFFFFF90] =	vst v3  }
0x1a4: {  	v3 =	vld [tilespmem:s24+$0xFFFFFFD0];
	_ =	sdelay $0x4  }
0x1a5: {  	v3 =	vmul.f32 v3, v1;
	_ =	sdelay $0x1  }
0x1a6: {  	v3 =	vadd.f32 v3, v2;
	_ =	sdelay $0x1  }
0x1a7: {  	[tilespmem:s23+$0xFFFFFFA0] =	vst v3  }
0x1a8: {  	v3 =	vld [tilespmem:s24+$0xFFFFFFE0];
	_ =	sdelay $0x4  }
0x1a9: {  	v3 =	vmul.f32 v3, v1;
	_ =	sdelay $0x1  }
0x1aa: {  	v3 =	vadd.f32 v3, v2;
	_ =	sdelay $0x1  }
0x1ab: {  	[tilespmem:s23+$0xFFFFFFB0] =	vst v3  }
0x1ac: {  	v3 =	vld [tilespmem:s24+$0xFFFFFFF0];
	_ =	sdelay $0x4  }
0x1ad: {  	v3 =	vmul.f32 v3, v1;
	_ =	sdelay $0x1  }
0x1ae: {  	v3 =	vadd.f32 v3, v2;
	_ =	sdelay $0x1  }
0x1af: {  	[tilespmem:s23+$0xFFFFFFC0] =	vst v3  }
0x1b0: {  	v3 =	vld [tilespmem:s24+$0x0];
	_ =	sdelay $0x4  }
0x1b1: {  	v3 =	vmul.f32 v3, v1;
	_ =	sdelay $0x1  }
0x1b2: {  	v3 =	vadd.f32 v3, v2;
	_ =	sdelay $0x1  }
0x1b3: {  	[tilespmem:s23+$0xFFFFFFD0] =	vst v3  }
0x1b4: {  	v3 =	vld [tilespmem:s24+$0x10];
	_ =	sdelay $0x4  }
0x1b5: {  	v3 =	vmul.f32 v3, v1;
	_ =	sdelay $0x1  }
0x1b6: {  	v3 =	vadd.f32 v3, v2;
	_ =	sdelay $0x1  }
0x1b7: {  	[tilespmem:s23+$0xFFFFFFE0] =	vst v3  }
0x1b8: {  	v3 =	vld [tilespmem:s24+$0x20];
	_ =	sdelay $0x4  }
0x1b9: {  	v3 =	vmul.f32 v3, v1;
	_ =	sdelay $0x1  }
0x1ba: {  	v3 =	vadd.f32 v3, v2;
	_ =	sdelay $0x1  }
0x1bb: {  	[tilespmem:s23+$0xFFFFFFF0] =	vst v3  }
0x1bc: {  	v3 =	vld [tilespmem:s24+$0x30];
	_ =	sdelay $0x4  }
0x1bd: {  	v3 =	vmul.f32 v3, v1;
	_ =	sdelay $0x1  }
0x1be: {  	v3 =	vadd.f32 v3, v2;
	_ =	sdelay $0x1  }
0x1bf: {  	s25 =	simm.s32 $0x19BC0;
	s24 =	simm.s32 $0x0;
	[tilespmem:s23+$0x0] =	vst v3  }
.LBB2_19:
0x1c0: {  	v3 =	vld [tilespmem:s25+$0xFFFFFFC0];
	s24 =	sadd.s32 $0x8, s24  }
0x1c1: {  	p0 =	slt.u32 s24, $0x138;
	_ =	sdelay $0x3  }
0x1c2: {  	v3 =	vmul.f32 v3, v1;
	_ =	sdelay $0x1  }
0x1c3: {  	v3 =	vadd.f32 v3, v2  }
0x1c4: {  	s23 =	sadd.s32 $0x80, s23  }
0x1c5: {  	[tilespmem:s23+$0xFFFFFF90] =	vst v3  }
0x1c6: {  	v3 =	vld [tilespmem:s25+$0xFFFFFFD0];
	_ =	sdelay $0x4  }
0x1c7: {  	v3 =	vmul.f32 v3, v1;
	_ =	sdelay $0x1  }
0x1c8: {  	v3 =	vadd.f32 v3, v2;
	_ =	sdelay $0x1  }
0x1c9: {  	[tilespmem:s23+$0xFFFFFFA0] =	vst v3  }
0x1ca: {  	v3 =	vld [tilespmem:s25+$0xFFFFFFE0];
	_ =	sdelay $0x4  }
0x1cb: {  	v3 =	vmul.f32 v3, v1;
	_ =	sdelay $0x1  }
0x1cc: {  	v3 =	vadd.f32 v3, v2;
	_ =	sdelay $0x1  }
0x1cd: {  	[tilespmem:s23+$0xFFFFFFB0] =	vst v3  }
0x1ce: {  	v3 =	vld [tilespmem:s25+$0xFFFFFFF0];
	_ =	sdelay $0x4  }
0x1cf: {  	v3 =	vmul.f32 v3, v1;
	_ =	sdelay $0x1  }
0x1d0: {  	v3 =	vadd.f32 v3, v2;
	_ =	sdelay $0x1  }
0x1d1: {  	[tilespmem:s23+$0xFFFFFFC0] =	vst v3  }
0x1d2: {  	v3 =	vld [tilespmem:s25+$0x0];
	_ =	sdelay $0x4  }
0x1d3: {  	v3 =	vmul.f32 v3, v1;
	_ =	sdelay $0x1  }
0x1d4: {  	v3 =	vadd.f32 v3, v2;
	_ =	sdelay $0x1  }
0x1d5: {  	[tilespmem:s23+$0xFFFFFFD0] =	vst v3  }
0x1d6: {  	v3 =	vld [tilespmem:s25+$0x10];
	_ =	sdelay $0x4  }
0x1d7: {  	v3 =	vmul.f32 v3, v1;
	_ =	sdelay $0x1  }
0x1d8: {  	v3 =	vadd.f32 v3, v2;
	_ =	sdelay $0x1  }
0x1d9: {  	[tilespmem:s23+$0xFFFFFFE0] =	vst v3  }
0x1da: {  	v3 =	vld [tilespmem:s25+$0x20];
	_ =	sdelay $0x4  }
0x1db: {  	v3 =	vmul.f32 v3, v1;
	_ =	sdelay $0x1  }
0x1dc: {  	v3 =	vadd.f32 v3, v2;
	_ =	sdelay $0x1  }
0x1dd: {  	[tilespmem:s23+$0xFFFFFFF0] =	vst v3  }
0x1de: {  	v3 =	vld [tilespmem:s25+$0x30];
	_ =	sdelay $0x4  }
.Ltmp8:
0x1df: {  	v3 =	vmul.f32 v3, v1;
	(pc) =	sbr.rel @p0 .LBB2_19-.Ltmp8, $3  }
0x1e0: {  	_ = 	snop  }
0x1e1: {  	v3 =	vadd.f32 v3, v2;
	_ =	sdelay $0x1  }
0x1e2: {  	s25 =	sadd.s32 $0x80, s25;
	[tilespmem:s23+$0x0] =	vst v3  }
0x1e3: {  	s23 =	smul.u32 $0xA0000, s22;
	_ =	sdelay $0x1  }
0x1e4: {  	s22 =	sadd.s32 $0x1, s22;
	s23 =	sadd.s32 s23, s11  }
0x1e5: {  	p0 =	sne.s32 s22, $0xD;
	s23 =	sshrl.u32 s23, $0x3  }
.Ltmp9:
0x1e6: {  	s23 =	sadd.s32 s4, s23;
	(pc) =	sbr.rel @p0 .LBB2_12-.Ltmp9, $4  }
0x1e7: {  	[hbm4b:s23+s13] =	stream.strided.scatter [tilespmem:s17], [sflag:$0x1], $0x5000, s14, s13, $0x38;
	v63 =	vld [tilespmem:$0x0]  }
0x1e8: {  	_ =	swait.ge [sflag:s15], $0x5000  }
0x1e9: {  	[sflag:s15] =	ssyncset.done $0x0  }
0x1ea: {  	[sflag:s15] =	ssyncadd.s32 $0xFFFFB000  }
0x1eb: {  	s21 =	sadd.s32 $0x1, s21  }
0x1ec: {  	p0 =	sne.s32 s21, s12  }
.Ltmp10:
0x1ed: {  	_ = 	snop;
	(pc) =	sbr.rel @p0 .LBB2_1-.Ltmp10, $1  }
0x1ee: {  	_ =	sdelay $0x3  }
0x1ef: {  	_ =	sfence.sel $0x180000  }
0x1f0: {  	[bflag:$0x0] =	sbarrier.arrive $0xFFFF  }
0x1f1: {  	p0 =	sne.s32 s5, $0x0;
	_ =	strace $0x90000047  }
0x1f2: {  	s0 =	sadd.s32 @!p0 $0x100000, s0;
	[bflag:$0x2] =	sbarrier.arrive $0xFFFF  }
0x1f3: {  	[sflag:s0] =	ssyncadd.tile.s32 @!p0 $0x1;
	_ =	shalt  }
.Lfunc_end2:
_tile_overlayer_lowered:
.L_overlay_start_2:
0x1f4: {  	(tag) =	ssettag $0x2  }
0x1f5: {  	s0 =	rddreg [dreg:$0x0];
	s2 =	stileid.u32  }
0x1f6: {  	s1 =	rddreg [dreg:$0x1];
	p0 =	sne.s32 s2, $0x0  }
0x1f7: {  	s3 =	rddreg [dreg:$0x2];
	[bflag:$0x3] =	sbarrier.arrive $0xFFFF;
	s2 =	simm.s32 @!p0 $0x1C01  }
0x1f8: {  	[timem:s3], [sflag:s2] =	dma.local @!p0 [hbm:s0], s1  }
0x1f9: {  	s0 =	simm.s32 @!p0 $0x1  }
0x1fa: {  	_ =	swait.ge @!p0 [sflag:s0], s1  }
0x1fb: {  	s1 =	ssub.s32 @!p0 $0x0, s1;
	[sflag:s0] =	ssyncset.done @!p0 $0x0  }
0x1fc: {  	[sflag:s0] =	ssyncadd.s32 @!p0 s1  }
0x1fd: {  	[bflag:$0x3] =	sbarrier.arrive $0xFFFF  }
0x1fe: {  	_ =	shalt  }

</sc_bundles>
